<compile_context>
chip_gen: v7x
topology: tpu7x:2x2x1
jax: 0.10.2.dev20260603
libtpu: 0.0.44.dev20260713+nightly
codegen_flags: <defaults>
</compile_context>

<pallas_src>
import dataclasses
import functools

import jax
import jax.numpy as jnp
from jax import lax
from jax.experimental import pallas as pl
from jax.experimental.pallas import tpu as pltpu
from jax.experimental.pallas import tpu_sc as plsc

N = 10000
E = 320000
D = 128
H = 128
OUT = 8

NC = 2
NS = 16
TILES = NC * NS
PER_TILE = E // TILES
K = 80
CH = PER_TILE // K
RPS = 624
TAIL = N - RPS * NS

_vec_mesh = plsc.VectorSubcoreMesh(core_axis_name="c", subcore_axis_name="s")


def _striped_copy(s, get_src, get_dst):
    sl = pl.ds(s * RPS, RPS)
    pltpu.sync_copy(get_src(sl), get_dst(sl))

    @pl.when(s == NS - 1)
    def _():
        tl = pl.ds(RPS * NS, TAIL)
        pltpu.sync_copy(get_src(tl), get_dst(tl))



_cp_no_layout = pltpu.CompilerParams()
if "needs_layout_passes" in pltpu.CompilerParams.__dataclass_fields__:
    _cp_no_layout = dataclasses.replace(_cp_no_layout, needs_layout_passes=False)


@functools.partial(
    pl.kernel,
    out_type=jax.ShapeDtypeStruct((TILES, N), jnp.float32),
    mesh=_vec_mesh,
    compiler_params=_cp_no_layout,
    scratch_types=[
        pltpu.VMEM((CH, K), jnp.int32),
        pltpu.VMEM((N,), jnp.float32),
    ],
)
def _deg_kernel(dst_hbm, zeros_hbm, out_hbm, dst_v, deg_v):
    c = lax.axis_index("c")
    s = lax.axis_index("s")
    tid = s * NC + c
    pltpu.sync_copy(dst_hbm.at[tid], dst_v)
    pltpu.sync_copy(zeros_hbm, deg_v)
    ones = jnp.full((16,), 1.0, jnp.float32)

    @pl.loop(0, CH)
    def _(j):
        for l in range(K // 16):
            idx = dst_v[j, pl.ds(l * 16, 16)]
            plsc.addupdate_scatter(deg_v, [idx], ones)

    pltpu.sync_copy(deg_v, out_hbm.at[tid])


PAIRS = (CH - 1) // 2


@functools.partial(
    pl.kernel,
    out_type=jax.ShapeDtypeStruct((NC, N, H), jnp.float32),
    mesh=_vec_mesh,
    scratch_types=[
        pltpu.VMEM((PER_TILE,), jnp.int32),
        pltpu.VMEM((CH, K), jnp.int32),
        pltpu.VMEM((K, H), jnp.float32),
        pltpu.VMEM((K, H), jnp.float32),
        pltpu.VMEM_SHARED((N, H), jnp.float32),
        pltpu.SemaphoreType.DMA,
        pltpu.SemaphoreType.DMA,
    ],
)
def _edge_kernel(hp_hbm, src_hbm, dst_hbm, out_hbm,
                 src_v, dst_v, rows_a, rows_b, acc, sg_a, sg_b):
    c = lax.axis_index("c")
    s = lax.axis_index("s")
    tid = s * NC + c
    pltpu.sync_copy(src_hbm.at[tid], src_v)
    pltpu.sync_copy(dst_hbm.at[tid], dst_v)
    _striped_copy(s, lambda d: hp_hbm.at[d], lambda d: acc.at[d])
    plsc.subcore_barrier()

    def gather_start(j, buf, sem):
        pltpu.async_copy(hp_hbm.at[src_v.at[pl.ds(j * K, K)]], buf, sem)

    def gather_wait(j, buf, sem):
        pltpu.make_async_copy(
            hp_hbm.at[src_v.at[pl.ds(j * K, K)]], buf, sem).wait()

    def scatter(j, buf):
        pltpu.sync_copy(buf, acc.at[dst_v.at[j]], add=True)

    gather_start(0, rows_a, sg_a)

    @pl.loop(0, PAIRS)
    def _(i):
        j = 2 * i
        gather_wait(j, rows_a, sg_a)
        gather_start(j + 1, rows_b, sg_b)
        scatter(j, rows_a)
        gather_start(j + 2, rows_a, sg_a)
        gather_wait(j + 1, rows_b, sg_b)
        scatter(j + 1, rows_b)

    gather_wait(CH - 1, rows_a, sg_a)
    scatter(CH - 1, rows_a)

    plsc.subcore_barrier()
    _striped_copy(s, lambda d: acc.at[d], lambda d: out_hbm.at[c, d])



BR = 2000
GB = N // BR


def _mm(a, b):
    return jnp.dot(a, b, precision=lax.Precision.DEFAULT,
                   preferred_element_type=jnp.float32)


def _ln(t, g, b, eps=1e-5):
    mu = jnp.mean(t, axis=-1, keepdims=True)
    var = jnp.mean((t - mu) ** 2, axis=-1, keepdims=True)
    return (t - mu) * lax.rsqrt(var + eps) * g + b


def _tc_mm1_body(x, w1, h1_o):
    h1_o[...] = _mm(x[...], w1[...])


_tc_mm1 = pl.pallas_call(
    _tc_mm1_body,
    grid=(GB,),
    in_specs=[
        pl.BlockSpec((BR, D), lambda i: (i, 0)),
        pl.BlockSpec((D, H), lambda i: (0, 0)),
    ],
    out_specs=pl.BlockSpec((BR, H), lambda i: (i, 0)),
    out_shape=jax.ShapeDtypeStruct((N, H), jnp.float32),
)


def _tc_pre_body(degp, h1, dinv_o, hp_o):
    deg = jnp.sum(degp[0], axis=-1)[:, None] + 1.0
    dinv = lax.rsqrt(jnp.maximum(deg, 1.0))
    dinv_o[...] = dinv
    hp_o[...] = h1[...] * dinv


_tc_pre = pl.pallas_call(
    _tc_pre_body,
    grid=(GB,),
    in_specs=[
        pl.BlockSpec((1, BR, TILES), lambda i: (i, 0, 0)),
        pl.BlockSpec((BR, H), lambda i: (i, 0)),
    ],
    out_specs=[
        pl.BlockSpec((BR, 1), lambda i: (i, 0)),
        pl.BlockSpec((BR, H), lambda i: (i, 0)),
    ],
    out_shape=[
        jax.ShapeDtypeStruct((N, 1), jnp.float32),
        jax.ShapeDtypeStruct((N, H), jnp.float32),
    ],
)


def _tc_mid_body(p, hp, dinv, b1, g1, bb1, w2, x1_o, h2p_o):
    dv = dinv[...]
    t = (p[0] + p[1] - hp[...]) * dv + b1[...]
    t = jnp.maximum(_ln(t, g1[...], bb1[...]), 0.0)
    x1_o[...] = t
    h2p_o[...] = _mm(t, w2[...]) * dv


_tc_mid = pl.pallas_call(
    _tc_mid_body,
    grid=(GB,),
    in_specs=[
        pl.BlockSpec((NC, BR, H), lambda i: (0, i, 0)),
        pl.BlockSpec((BR, H), lambda i: (i, 0)),
        pl.BlockSpec((BR, 1), lambda i: (i, 0)),
        pl.BlockSpec((1, H), lambda i: (0, 0)),
        pl.BlockSpec((1, H), lambda i: (0, 0)),
        pl.BlockSpec((1, H), lambda i: (0, 0)),
        pl.BlockSpec((H, H), lambda i: (0, 0)),
    ],
    out_specs=[
        pl.BlockSpec((BR, H), lambda i: (i, 0)),
        pl.BlockSpec((BR, H), lambda i: (i, 0)),
    ],
    out_shape=[
        jax.ShapeDtypeStruct((N, H), jnp.float32),
        jax.ShapeDtypeStruct((N, H), jnp.float32),
    ],
)


def _tc_head_body(q, hp, dinv, b2, g2, bb2, x1,
                  wa1, ba1, ga, bba, wa2, ba2,
                  wc1, bc1, gc, bbc, wc2, bc2,
                  probs_o, vals_o):
    dv = dinv[...]
    t = (q[0] + q[1] - hp[...]) * dv + b2[...]
    x2 = jnp.maximum(_ln(t, g2[...], bb2[...]), 0.0)
    xs = x2 + x1[...]

    a = jnp.maximum(_mm(xs, wa1[...]) + ba1[...], 0.0)
    a = _ln(a, ga[...], bba[...])
    logits = _mm(a, wa2[...]) + ba2[...]
    m = jnp.max(logits, axis=-1, keepdims=True)
    e = jnp.exp(logits - m)
    probs_o[...] = e / jnp.sum(e, axis=-1, keepdims=True)

    cch = jnp.maximum(_mm(xs, wc1[...]) + bc1[...], 0.0)
    cch = _ln(cch, gc[...], bbc[...])
    vals_o[...] = _mm(cch, wc2[...]) + bc2[...]


def _full(shape):
    return pl.BlockSpec(shape, lambda *_: tuple(0 for _ in shape))


_tc_head = pl.pallas_call(
    _tc_head_body,
    grid=(GB,),
    in_specs=[
        pl.BlockSpec((NC, BR, H), lambda i: (0, i, 0)),
        pl.BlockSpec((BR, H), lambda i: (i, 0)),
        pl.BlockSpec((BR, 1), lambda i: (i, 0)),
        _full((1, H)), _full((1, H)), _full((1, H)),
        pl.BlockSpec((BR, H), lambda i: (i, 0)),
        _full((H, H)), _full((1, H)), _full((1, H)), _full((1, H)),
        _full((H, OUT)), _full((1, OUT)),
        _full((H, H)), _full((1, H)), _full((1, H)), _full((1, H)),
        _full((H, 1)), _full((1, 1)),
    ],
    out_specs=[
        pl.BlockSpec((BR, OUT), lambda i: (i, 0)),
        pl.BlockSpec((BR, 1), lambda i: (i, 0)),
    ],
    out_shape=[
        jax.ShapeDtypeStruct((N, OUT), jnp.float32),
        jax.ShapeDtypeStruct((N, 1), jnp.float32),
    ],
)



def kernel(x, edge_index, W1, b1, ln1_g, ln1_b, W2, b2, ln2_g, ln2_b,
           Wa1, ba1, lna_g, lna_b, Wa2, ba2, Wc1, bc1, lnc_g, lnc_b, Wc2, bc2):
    src_r = edge_index[0].reshape(TILES, PER_TILE)
    dst_r = edge_index[1].reshape(TILES, CH, K)
    zeros_n = jnp.zeros((N,), jnp.float32)

    def r(v):
        return v.reshape(1, -1)

    h1 = _tc_mm1(x, W1)
    degp = _deg_kernel(dst_r, zeros_n)
    degp_t = degp.T.reshape(GB, BR, TILES)
    dinv, h1p = _tc_pre(degp_t, h1)
    p = _edge_kernel(h1p, src_r, dst_r)
    x1, h2p = _tc_mid(p, h1p, dinv, r(b1), r(ln1_g), r(ln1_b), W2)
    q = _edge_kernel(h2p, src_r, dst_r)
    probs, vals = _tc_head(q, h2p, dinv, r(b2), r(ln2_g), r(ln2_b), x1,
                           Wa1, r(ba1), r(lna_g), r(lna_b), Wa2, r(ba2),
                           Wc1, r(bc1), r(lnc_g), r(lnc_b), Wc2, r(bc2))
    return probs, vals

# --- scband reference (transcript-rebuilt; emitter-appended) ---
"""Pipeline reference for scband-gnnppopolicy-64828236366455 (READ-ONLY COPY).

The authoritative reference and input builder live on the scoring server;
editing this copy changes nothing except your own understanding.
"""

import jax, jax.numpy as jnp
import numpy as np

N = 10000
E = 320000
D = 128
H = 128
OUT = 8

def layer_norm(x, g, b, eps=1e-5):
    mu = jnp.mean(x, axis=-1, keepdims=True)
    var = jnp.mean((x - mu) ** 2, axis=-1, keepdims=True)
    return (x - mu) / jnp.sqrt(var + eps) * g + b

def gcn_conv(x, edge_index, W, b):
    n = x.shape[0]
    loop = jnp.arange(n, dtype=edge_index.dtype)
    src = jnp.concatenate([edge_index[0], loop])
    dst = jnp.concatenate([edge_index[1], loop])
    deg = jnp.zeros((n,), jnp.float32).at[dst].add(1.0)
    dinv = jax.lax.rsqrt(jnp.maximum(deg, 1.0))
    norm = dinv[src] * dinv[dst]
    h = x @ W
    msg = h[src] * norm[:, None]
    out = jnp.zeros((n, W.shape[1]), jnp.float32).at[dst].add(msg)
    return out + b

def setup_inputs(seed: int = 0):
    key = jax.random.key(seed)
    ks = jax.random.split(key, 8)
    s = lambda i, shape: jax.random.normal(ks[i], shape, jnp.float32) * 0.05
    return {
        "x": jax.random.normal(ks[0], (N, D), jnp.float32),
        "edge_index": jax.random.randint(ks[1], (2, E), 0, N, dtype=jnp.int32),
        "W1": s(2, (D, H)), "b1": jnp.zeros((H,), jnp.float32),
        "ln1_g": jnp.ones((H,), jnp.float32), "ln1_b": jnp.zeros((H,), jnp.float32),
        "W2": s(3, (H, H)), "b2": jnp.zeros((H,), jnp.float32),
        "ln2_g": jnp.ones((H,), jnp.float32), "ln2_b": jnp.zeros((H,), jnp.float32),
        "Wa1": s(4, (H, H)), "ba1": jnp.zeros((H,), jnp.float32),
        "lna_g": jnp.ones((H,), jnp.float32), "lna_b": jnp.zeros((H,), jnp.float32),
        "Wa2": s(5, (H, OUT)), "ba2": jnp.zeros((OUT,), jnp.float32),
        "Wc1": s(6, (H, H)), "bc1": jnp.zeros((H,), jnp.float32),
        "lnc_g": jnp.ones((H,), jnp.float32), "lnc_b": jnp.zeros((H,), jnp.float32),
        "Wc2": s(7, (H, 1)), "bc2": jnp.zeros((1,), jnp.float32),
    }

def reference(x, edge_index, W1, b1, ln1_g, ln1_b, W2, b2, ln2_g, ln2_b, Wa1, ba1, lna_g, lna_b, Wa2, ba2, Wc1, bc1, lnc_g, lnc_b, Wc2, bc2):
    x1 = gcn_conv(x, edge_index, W1, b1)
    x1 = jax.nn.relu(layer_norm(x1, ln1_g, ln1_b))
    x2 = gcn_conv(x1, edge_index, W2, b2)
    x2 = jax.nn.relu(layer_norm(x2, ln2_g, ln2_b))
    xs = x2 + x1
    a = jax.nn.relu(xs @ Wa1 + ba1)
    a = layer_norm(a, lna_g, lna_b)
    action_probs = jax.nn.softmax(a @ Wa2 + ba2, axis=-1)
    c = jax.nn.relu(xs @ Wc1 + bc1)
    c = layer_norm(c, lnc_g, lnc_b)
    values = c @ Wc2 + bc2
    return (action_probs, values)

if __name__ == "__main__":
    import jax
    _d = setup_inputs()
    print(jax.jit(kernel)(*tuple(_d.values())))

</pallas_src>

<mosaic_0001>
#map = affine_map<(d0, d1) -> (0, 0, 0)>
#map1 = affine_map<(d0, d1) -> (0)>
#map2 = affine_map<(d0, d1) -> (0, 0)>
module attributes {stable_mosaic.version = 14 : i64} {
  func.func @_deg_kernel(%arg0: i32, %arg1: i32, %arg2: memref<32x125x80xi32, #tpu.memory_space<hbm>>, %arg3: memref<10000xf32, #tpu.memory_space<hbm>>, %arg4: memref<32x10000xf32, #tpu.memory_space<hbm>>, %arg5: memref<125x80xi32, #tpu.memory_space<vmem>>, %arg6: memref<10000xf32, #tpu.memory_space<vmem>>) attributes {dimension_semantics = [#tpu.dimension_semantics<core_parallel>, #tpu.dimension_semantics<subcore_parallel>], iteration_bounds = array<i64: 2, 16>, scalar_prefetch = 0 : i64, scratch_operands = 2 : i64, tpu.core_type = #tpu.core_type<sc_vector_subcore>, window_params = [{transform_indices = #map}, {transform_indices = #map1}, {transform_indices = #map2}]} {
    %mul3A = arith.constant 2 : i32
    %mul3A_0 = arith.muli %arg1, %mul3A : i32
    %add3A = arith.addi %mul3A_0, %arg0 : i32
    "tpu.region"() ({
      %run_scoped3A = tpu.sem_alloc : memref<!tpu.dma_semaphore, #tpu.memory_space<semaphore_mem>>
      %dma_start3A = arith.constant 0 : i32
      %dma_start3A_6 = arith.constant 0 : i32
      %dma_start3A_7 = tpu.memref_slice %arg2[%add3A, %dma_start3A, %dma_start3A_6] : memref<32x125x80xi32, #tpu.memory_space<hbm>> -> memref<1x125x80xi32, #tpu.memory_space<hbm>>
      %dma_start3A_8 = tpu.memref_squeeze %dma_start3A_7 : memref<1x125x80xi32, #tpu.memory_space<hbm>> -> memref<125x80xi32, #tpu.memory_space<hbm>>
      %dma_start3A_9 = arith.constant 0 : i32
      %dma_start3A_10 = arith.constant 0 : i32
      %dma_start3A_11 = tpu.memref_slice %arg2[%add3A, %dma_start3A_9, %dma_start3A_10] : memref<32x125x80xi32, #tpu.memory_space<hbm>> -> memref<1x125x80xi32, #tpu.memory_space<hbm>>
      %dma_start3A_12 = tpu.memref_squeeze %dma_start3A_11 : memref<1x125x80xi32, #tpu.memory_space<hbm>> -> memref<125x80xi32, #tpu.memory_space<hbm>>
      tpu.enqueue_dma source(%dma_start3A_12 : memref<125x80xi32, #tpu.memory_space<hbm>>) target(%arg5 : memref<125x80xi32, #tpu.memory_space<vmem>>) target_semaphore(%run_scoped3A : memref<!tpu.dma_semaphore, #tpu.memory_space<semaphore_mem>>)
      %dma_wait3A = arith.constant 0 : i32
      %dma_wait3A_13 = arith.constant 0 : i32
      %dma_wait3A_14 = tpu.memref_slice %arg2[%add3A, %dma_wait3A, %dma_wait3A_13] : memref<32x125x80xi32, #tpu.memory_space<hbm>> -> memref<1x125x80xi32, #tpu.memory_space<hbm>>
      %dma_wait3A_15 = tpu.memref_squeeze %dma_wait3A_14 : memref<1x125x80xi32, #tpu.memory_space<hbm>> -> memref<125x80xi32, #tpu.memory_space<hbm>>
      %dma_wait3A_16 = arith.constant 0 : i32
      %dma_wait3A_17 = arith.constant 0 : i32
      %dma_wait3A_18 = tpu.memref_slice %arg2[%add3A, %dma_wait3A_16, %dma_wait3A_17] : memref<32x125x80xi32, #tpu.memory_space<hbm>> -> memref<1x125x80xi32, #tpu.memory_space<hbm>>
      %dma_wait3A_19 = tpu.memref_squeeze %dma_wait3A_18 : memref<1x125x80xi32, #tpu.memory_space<hbm>> -> memref<125x80xi32, #tpu.memory_space<hbm>>
      tpu.wait_dma2 semaphore(%run_scoped3A : memref<!tpu.dma_semaphore, #tpu.memory_space<semaphore_mem>>) src(%dma_wait3A_19 : memref<125x80xi32, #tpu.memory_space<hbm>>) dst(%arg5 : memref<125x80xi32, #tpu.memory_space<vmem>>)
      tpu.yield
    }) : () -> ()
    "tpu.region"() ({
      %run_scoped3A = tpu.sem_alloc : memref<!tpu.dma_semaphore, #tpu.memory_space<semaphore_mem>>
      tpu.enqueue_dma source(%arg3 : memref<10000xf32, #tpu.memory_space<hbm>>) target(%arg6 : memref<10000xf32, #tpu.memory_space<vmem>>) target_semaphore(%run_scoped3A : memref<!tpu.dma_semaphore, #tpu.memory_space<semaphore_mem>>)
      tpu.wait_dma2 semaphore(%run_scoped3A : memref<!tpu.dma_semaphore, #tpu.memory_space<semaphore_mem>>) src(%arg3 : memref<10000xf32, #tpu.memory_space<hbm>>) dst(%arg6 : memref<10000xf32, #tpu.memory_space<vmem>>)
      tpu.yield
    }) : () -> ()
    %broadcast_in_dim3A = arith.constant 1.000000e+00 : f32
    %broadcast_in_dim3A_1 = vector.broadcast %broadcast_in_dim3A : f32 to vector<16xf32>
    %scan3A = arith.constant 0 : i32
    %scan3A_2 = arith.constant 125 : i32
    %scan3A_3 = arith.addi %scan3A, %scan3A_2 : i32
    %scan3A_4 = arith.constant 1 : i32
    scf.for %scan3A_6 = %scan3A to %scan3A_3 step %scan3A_4  : i32 {
      %mul3A_7 = arith.constant 1 : i32
      %mul3A_8 = arith.muli %scan3A_6, %mul3A_7 : i32
      %add3A_9 = arith.constant 0 : i32
      %add3A_10 = arith.addi %add3A_9, %mul3A_8 : i32
      %get3A = arith.index_cast %add3A_10 : i32 to index
      %get3A_11 = arith.constant 0 : index
      %get3A_12 = tpu.vector_load %arg5[%get3A, %get3A_11] {strides = array<i32>} : memref<125x80xi32, #tpu.memory_space<vmem>>, vector<16xi32>,
      tpu.vector_store_idx %arg6[%get3A_12], %broadcast_in_dim3A_1 {add = true} : memref<10000xf32, #tpu.memory_space<vmem>>[vector<16xi32>], vector<16xf32>,
      %get3A_13 = arith.index_cast %add3A_10 : i32 to index
      %get3A_14 = arith.constant 16 : index
      %get3A_15 = tpu.vector_load %arg5[%get3A_13, %get3A_14] {strides = array<i32>} : memref<125x80xi32, #tpu.memory_space<vmem>>, vector<16xi32>,
      tpu.vector_store_idx %arg6[%get3A_15], %broadcast_in_dim3A_1 {add = true} : memref<10000xf32, #tpu.memory_space<vmem>>[vector<16xi32>], vector<16xf32>,
      %get3A_16 = arith.index_cast %add3A_10 : i32 to index
      %get3A_17 = arith.constant 32 : index
      %get3A_18 = tpu.vector_load %arg5[%get3A_16, %get3A_17] {strides = array<i32>} : memref<125x80xi32, #tpu.memory_space<vmem>>, vector<16xi32>,
      tpu.vector_store_idx %arg6[%get3A_18], %broadcast_in_dim3A_1 {add = true} : memref<10000xf32, #tpu.memory_space<vmem>>[vector<16xi32>], vector<16xf32>,
      %get3A_19 = arith.index_cast %add3A_10 : i32 to index
      %get3A_20 = arith.constant 48 : index
      %get3A_21 = tpu.vector_load %arg5[%get3A_19, %get3A_20] {strides = array<i32>} : memref<125x80xi32, #tpu.memory_space<vmem>>, vector<16xi32>,
      tpu.vector_store_idx %arg6[%get3A_21], %broadcast_in_dim3A_1 {add = true} : memref<10000xf32, #tpu.memory_space<vmem>>[vector<16xi32>], vector<16xf32>,
      %get3A_22 = arith.index_cast %add3A_10 : i32 to index
      %get3A_23 = arith.constant 64 : index
      %get3A_24 = tpu.vector_load %arg5[%get3A_22, %get3A_23] {strides = array<i32>} : memref<125x80xi32, #tpu.memory_space<vmem>>, vector<16xi32>,
      tpu.vector_store_idx %arg6[%get3A_24], %broadcast_in_dim3A_1 {add = true} : memref<10000xf32, #tpu.memory_space<vmem>>[vector<16xi32>], vector<16xf32>,
    }
    %scan3A_5 = arith.constant 125 : i32
    "tpu.region"() ({
      %run_scoped3A = tpu.sem_alloc : memref<!tpu.dma_semaphore, #tpu.memory_space<semaphore_mem>>
      %dma_start3A = arith.constant 0 : i32
      %dma_start3A_6 = tpu.memref_slice %arg4[%add3A, %dma_start3A] : memref<32x10000xf32, #tpu.memory_space<hbm>> -> memref<1x10000xf32, #tpu.memory_space<hbm>>
      %dma_start3A_7 = tpu.memref_squeeze %dma_start3A_6 : memref<1x10000xf32, #tpu.memory_space<hbm>> -> memref<10000xf32, #tpu.memory_space<hbm>>
      %dma_start3A_8 = arith.constant 0 : i32
      %dma_start3A_9 = tpu.memref_slice %arg4[%add3A, %dma_start3A_8] : memref<32x10000xf32, #tpu.memory_space<hbm>> -> memref<1x10000xf32, #tpu.memory_space<hbm>>
      %dma_start3A_10 = tpu.memref_squeeze %dma_start3A_9 : memref<1x10000xf32, #tpu.memory_space<hbm>> -> memref<10000xf32, #tpu.memory_space<hbm>>
      tpu.enqueue_dma source(%arg6 : memref<10000xf32, #tpu.memory_space<vmem>>) target(%dma_start3A_10 : memref<10000xf32, #tpu.memory_space<hbm>>) target_semaphore(%run_scoped3A : memref<!tpu.dma_semaphore, #tpu.memory_space<semaphore_mem>>)
      %dma_wait3A = arith.constant 0 : i32
      %dma_wait3A_11 = tpu.memref_slice %arg4[%add3A, %dma_wait3A] : memref<32x10000xf32, #tpu.memory_space<hbm>> -> memref<1x10000xf32, #tpu.memory_space<hbm>>
      %dma_wait3A_12 = tpu.memref_squeeze %dma_wait3A_11 : memref<1x10000xf32, #tpu.memory_space<hbm>> -> memref<10000xf32, #tpu.memory_space<hbm>>
      %dma_wait3A_13 = arith.constant 0 : i32
      %dma_wait3A_14 = tpu.memref_slice %arg4[%add3A, %dma_wait3A_13] : memref<32x10000xf32, #tpu.memory_space<hbm>> -> memref<1x10000xf32, #tpu.memory_space<hbm>>
      %dma_wait3A_15 = tpu.memref_squeeze %dma_wait3A_14 : memref<1x10000xf32, #tpu.memory_space<hbm>> -> memref<10000xf32, #tpu.memory_space<hbm>>
      tpu.wait_dma2 semaphore(%run_scoped3A : memref<!tpu.dma_semaphore, #tpu.memory_space<semaphore_mem>>) src(%arg6 : memref<10000xf32, #tpu.memory_space<vmem>>) dst(%dma_wait3A_15 : memref<10000xf32, #tpu.memory_space<hbm>>)
      tpu.yield
    }) : () -> ()
    return
  }
}

#map = affine_map<(d0, d1) -> (0, 0)>
#map1 = affine_map<(d0, d1) -> (0, 0, 0)>
module attributes {stable_mosaic.version = 14 : i64} {
  func.func @_edge_kernel(%arg0: i32, %arg1: i32, %arg2: memref<10000x128xf32, #tpu.memory_space<hbm>>, %arg3: memref<32x10000xi32, #tpu.memory_space<hbm>>, %arg4: memref<32x125x80xi32, #tpu.memory_space<hbm>>, %arg5: memref<2x10000x128xf32, #tpu.memory_space<hbm>>, %arg6: memref<10000xi32, #tpu.memory_space<vmem>>, %arg7: memref<125x80xi32, #tpu.memory_space<vmem>>, %arg8: memref<80x128xf32, #tpu.memory_space<vmem>>, %arg9: memref<80x128xf32, #tpu.memory_space<vmem>>, %arg10: memref<10000x128xf32, #tpu.memory_space<vmem_shared>>, %arg11: memref<!tpu.dma_semaphore, #tpu.memory_space<semaphore_mem>>, %arg12: memref<!tpu.dma_semaphore, #tpu.memory_space<semaphore_mem>>) attributes {dimension_semantics = [#tpu.dimension_semantics<core_parallel>, #tpu.dimension_semantics<subcore_parallel>], iteration_bounds = array<i64: 2, 16>, scalar_prefetch = 0 : i64, scratch_operands = 7 : i64, tpu.core_type = #tpu.core_type<sc_vector_subcore>, window_params = [{transform_indices = #map}, {transform_indices = #map}, {transform_indices = #map1}, {transform_indices = #map1}]} {
    %mul3A = arith.constant 2 : i32
    %mul3A_0 = arith.muli %arg1, %mul3A : i32
    %add3A = arith.addi %mul3A_0, %arg0 : i32
    "tpu.region"() ({
      %run_scoped3A_25 = tpu.sem_alloc : memref<!tpu.dma_semaphore, #tpu.memory_space<semaphore_mem>>
      %dma_start3A_26 = arith.constant 0 : i32
      %dma_start3A_27 = tpu.memref_slice %arg3[%add3A, %dma_start3A_26] : memref<32x10000xi32, #tpu.memory_space<hbm>> -> memref<1x10000xi32, #tpu.memory_space<hbm>>
      %dma_start3A_28 = tpu.memref_squeeze %dma_start3A_27 : memref<1x10000xi32, #tpu.memory_space<hbm>> -> memref<10000xi32, #tpu.memory_space<hbm>>
      %dma_start3A_29 = arith.constant 0 : i32
      %dma_start3A_30 = tpu.memref_slice %arg3[%add3A, %dma_start3A_29] : memref<32x10000xi32, #tpu.memory_space<hbm>> -> memref<1x10000xi32, #tpu.memory_space<hbm>>
      %dma_start3A_31 = tpu.memref_squeeze %dma_start3A_30 : memref<1x10000xi32, #tpu.memory_space<hbm>> -> memref<10000xi32, #tpu.memory_space<hbm>>
      tpu.enqueue_dma source(%dma_start3A_31 : memref<10000xi32, #tpu.memory_space<hbm>>) target(%arg6 : memref<10000xi32, #tpu.memory_space<vmem>>) target_semaphore(%run_scoped3A_25 : memref<!tpu.dma_semaphore, #tpu.memory_space<semaphore_mem>>)
      %dma_wait3A_32 = arith.constant 0 : i32
      %dma_wait3A_33 = tpu.memref_slice %arg3[%add3A, %dma_wait3A_32] : memref<32x10000xi32, #tpu.memory_space<hbm>> -> memref<1x10000xi32, #tpu.memory_space<hbm>>
      %dma_wait3A_34 = tpu.memref_squeeze %dma_wait3A_33 : memref<1x10000xi32, #tpu.memory_space<hbm>> -> memref<10000xi32, #tpu.memory_space<hbm>>
      %dma_wait3A_35 = arith.constant 0 : i32
      %dma_wait3A_36 = tpu.memref_slice %arg3[%add3A, %dma_wait3A_35] : memref<32x10000xi32, #tpu.memory_space<hbm>> -> memref<1x10000xi32, #tpu.memory_space<hbm>>
      %dma_wait3A_37 = tpu.memref_squeeze %dma_wait3A_36 : memref<1x10000xi32, #tpu.memory_space<hbm>> -> memref<10000xi32, #tpu.memory_space<hbm>>
      tpu.wait_dma2 semaphore(%run_scoped3A_25 : memref<!tpu.dma_semaphore, #tpu.memory_space<semaphore_mem>>) src(%dma_wait3A_37 : memref<10000xi32, #tpu.memory_space<hbm>>) dst(%arg6 : memref<10000xi32, #tpu.memory_space<vmem>>)
      tpu.yield
    }) : () -> ()
    "tpu.region"() ({
      %run_scoped3A_25 = tpu.sem_alloc : memref<!tpu.dma_semaphore, #tpu.memory_space<semaphore_mem>>
      %dma_start3A_26 = arith.constant 0 : i32
      %dma_start3A_27 = arith.constant 0 : i32
      %dma_start3A_28 = tpu.memref_slice %arg4[%add3A, %dma_start3A_26, %dma_start3A_27] : memref<32x125x80xi32, #tpu.memory_space<hbm>> -> memref<1x125x80xi32, #tpu.memory_space<hbm>>
      %dma_start3A_29 = tpu.memref_squeeze %dma_start3A_28 : memref<1x125x80xi32, #tpu.memory_space<hbm>> -> memref<125x80xi32, #tpu.memory_space<hbm>>
      %dma_start3A_30 = arith.constant 0 : i32
      %dma_start3A_31 = arith.constant 0 : i32
      %dma_start3A_32 = tpu.memref_slice %arg4[%add3A, %dma_start3A_30, %dma_start3A_31] : memref<32x125x80xi32, #tpu.memory_space<hbm>> -> memref<1x125x80xi32, #tpu.memory_space<hbm>>
      %dma_start3A_33 = tpu.memref_squeeze %dma_start3A_32 : memref<1x125x80xi32, #tpu.memory_space<hbm>> -> memref<125x80xi32, #tpu.memory_space<hbm>>
      tpu.enqueue_dma source(%dma_start3A_33 : memref<125x80xi32, #tpu.memory_space<hbm>>) target(%arg7 : memref<125x80xi32, #tpu.memory_space<vmem>>) target_semaphore(%run_scoped3A_25 : memref<!tpu.dma_semaphore, #tpu.memory_space<semaphore_mem>>)
      %dma_wait3A_34 = arith.constant 0 : i32
      %dma_wait3A_35 = arith.constant 0 : i32
      %dma_wait3A_36 = tpu.memref_slice %arg4[%add3A, %dma_wait3A_34, %dma_wait3A_35] : memref<32x125x80xi32, #tpu.memory_space<hbm>> -> memref<1x125x80xi32, #tpu.memory_space<hbm>>
      %dma_wait3A_37 = tpu.memref_squeeze %dma_wait3A_36 : memref<1x125x80xi32, #tpu.memory_space<hbm>> -> memref<125x80xi32, #tpu.memory_space<hbm>>
      %dma_wait3A_38 = arith.constant 0 : i32
      %dma_wait3A_39 = arith.constant 0 : i32
      %dma_wait3A_40 = tpu.memref_slice %arg4[%add3A, %dma_wait3A_38, %dma_wait3A_39] : memref<32x125x80xi32, #tpu.memory_space<hbm>> -> memref<1x125x80xi32, #tpu.memory_space<hbm>>
      %dma_wait3A_41 = tpu.memref_squeeze %dma_wait3A_40 : memref<1x125x80xi32, #tpu.memory_space<hbm>> -> memref<125x80xi32, #tpu.memory_space<hbm>>
      tpu.wait_dma2 semaphore(%run_scoped3A_25 : memref<!tpu.dma_semaphore, #tpu.memory_space<semaphore_mem>>) src(%dma_wait3A_41 : memref<125x80xi32, #tpu.memory_space<hbm>>) dst(%arg7 : memref<125x80xi32, #tpu.memory_space<vmem>>)
      tpu.yield
    }) : () -> ()
    %mul3A_1 = arith.constant 624 : i32
    %mul3A_2 = arith.muli %arg1, %mul3A_1 : i32
    "tpu.region"() ({
      %run_scoped3A_25 = tpu.sem_alloc : memref<!tpu.dma_semaphore, #tpu.memory_space<semaphore_mem>>
      %dma_start3A_26 = arith.constant 0 : i32
      %dma_start3A_27 = tpu.memref_slice %arg10[%mul3A_2, %dma_start3A_26] : memref<10000x128xf32, #tpu.memory_space<vmem_shared>> -> memref<624x128xf32, #tpu.memory_space<vmem_shared>>
      %dma_start3A_28 = arith.constant 0 : i32
      %dma_start3A_29 = tpu.memref_slice %arg2[%mul3A_2, %dma_start3A_28] : memref<10000x128xf32, #tpu.memory_space<hbm>> -> memref<624x128xf32, #tpu.memory_space<hbm>>
      tpu.enqueue_dma source(%dma_start3A_29 : memref<624x128xf32, #tpu.memory_space<hbm>>) target(%dma_start3A_27 : memref<624x128xf32, #tpu.memory_space<vmem_shared>>) target_semaphore(%run_scoped3A_25 : memref<!tpu.dma_semaphore, #tpu.memory_space<semaphore_mem>>)
      %dma_wait3A_30 = arith.constant 0 : i32
      %dma_wait3A_31 = tpu.memref_slice %arg10[%mul3A_2, %dma_wait3A_30] : memref<10000x128xf32, #tpu.memory_space<vmem_shared>> -> memref<624x128xf32, #tpu.memory_space<vmem_shared>>
      %dma_wait3A_32 = arith.constant 0 : i32
      %dma_wait3A_33 = tpu.memref_slice %arg2[%mul3A_2, %dma_wait3A_32] : memref<10000x128xf32, #tpu.memory_space<hbm>> -> memref<624x128xf32, #tpu.memory_space<hbm>>
      tpu.wait_dma2 semaphore(%run_scoped3A_25 : memref<!tpu.dma_semaphore, #tpu.memory_space<semaphore_mem>>) src(%dma_wait3A_33 : memref<624x128xf32, #tpu.memory_space<hbm>>) dst(%dma_wait3A_31 : memref<624x128xf32, #tpu.memory_space<vmem_shared>>)
      tpu.yield
    }) : () -> ()
    %eq3A = arith.constant 15 : i32
    %eq3A_3 = arith.cmpi eq, %arg1, %eq3A : i32
    %convert_element_type3A = arith.extui %eq3A_3 : i1 to i32
    %cond3A = arith.constant 0 : i32
    %cond3A_4 = arith.cmpi ne, %convert_element_type3A, %cond3A : i32
    scf.if %cond3A_4 {
      "tpu.region"() ({
        %run_scoped3A_25 = tpu.sem_alloc : memref<!tpu.dma_semaphore, #tpu.memory_space<semaphore_mem>>
        %dma_start3A_26 = arith.constant 9984 : i32
        %dma_start3A_27 = arith.constant 0 : i32
        %dma_start3A_28 = tpu.memref_slice %arg10[%dma_start3A_26, %dma_start3A_27] : memref<10000x128xf32, #tpu.memory_space<vmem_shared>> -> memref<16x128xf32, #tpu.memory_space<vmem_shared>>
        %dma_start3A_29 = arith.constant 9984 : i32
        %dma_start3A_30 = arith.constant 0 : i32
        %dma_start3A_31 = tpu.memref_slice %arg2[%dma_start3A_29, %dma_start3A_30] : memref<10000x128xf32, #tpu.memory_space<hbm>> -> memref<16x128xf32, #tpu.memory_space<hbm>>
        tpu.enqueue_dma source(%dma_start3A_31 : memref<16x128xf32, #tpu.memory_space<hbm>>) target(%dma_start3A_28 : memref<16x128xf32, #tpu.memory_space<vmem_shared>>) target_semaphore(%run_scoped3A_25 : memref<!tpu.dma_semaphore, #tpu.memory_space<semaphore_mem>>)
        %dma_wait3A_32 = arith.constant 9984 : i32
        %dma_wait3A_33 = arith.constant 0 : i32
        %dma_wait3A_34 = tpu.memref_slice %arg10[%dma_wait3A_32, %dma_wait3A_33] : memref<10000x128xf32, #tpu.memory_space<vmem_shared>> -> memref<16x128xf32, #tpu.memory_space<vmem_shared>>
        %dma_wait3A_35 = arith.constant 9984 : i32
        %dma_wait3A_36 = arith.constant 0 : i32
        %dma_wait3A_37 = tpu.memref_slice %arg2[%dma_wait3A_35, %dma_wait3A_36] : memref<10000x128xf32, #tpu.memory_space<hbm>> -> memref<16x128xf32, #tpu.memory_space<hbm>>
        tpu.wait_dma2 semaphore(%run_scoped3A_25 : memref<!tpu.dma_semaphore, #tpu.memory_space<semaphore_mem>>) src(%dma_wait3A_37 : memref<16x128xf32, #tpu.memory_space<hbm>>) dst(%dma_wait3A_34 : memref<16x128xf32, #tpu.memory_space<vmem_shared>>)
        tpu.yield
      }) : () -> ()
    } else {
    }
    %barrier3A = arith.constant 0 : index
    tpu.barrier barrier_id(%barrier3A)
    %dma_start3A = arith.constant 0 : i32
    %dma_start3A_5 = tpu.memref_slice %arg6[%dma_start3A] : memref<10000xi32, #tpu.memory_space<vmem>> -> memref<80xi32, #tpu.memory_space<vmem>>
    %dma_start3A_6 = arith.constant 0 : i32
    %dma_start3A_7 = arith.constant 0 : i32
    %dma_start3A_8 = tpu.memref_slice %arg2[%dma_start3A_6, %dma_start3A_7] : memref<10000x128xf32, #tpu.memory_space<hbm>> -> memref<10000x128xf32, #tpu.memory_space<hbm>>
    tpu.enqueue_indirect_dma source(%dma_start3A_8 : memref<10000x128xf32, #tpu.memory_space<hbm>>) target(%arg8 : memref<80x128xf32, #tpu.memory_space<vmem>>) offsets(%dma_start3A_5 : memref<80xi32, #tpu.memory_space<vmem>>) semaphore(%arg11 : memref<!tpu.dma_semaphore, #tpu.memory_space<semaphore_mem>>)
    %scan3A = arith.constant 0 : i32
    %scan3A_9 = arith.constant 62 : i32
    %scan3A_10 = arith.addi %scan3A, %scan3A_9 : i32
    %scan3A_11 = arith.constant 1 : i32
    scf.for %scan3A_25 = %scan3A to %scan3A_10 step %scan3A_11  : i32 {
      %mul3A_26 = arith.constant 1 : i32
      %mul3A_27 = arith.muli %scan3A_25, %mul3A_26 : i32
      %add3A_28 = arith.constant 0 : i32
      %add3A_29 = arith.addi %add3A_28, %mul3A_27 : i32
      %mul3A_30 = arith.constant 2 : i32
      %mul3A_31 = arith.muli %mul3A_30, %add3A_29 : i32
      %mul3A_32 = arith.constant 80 : i32
      %mul3A_33 = arith.muli %mul3A_31, %mul3A_32 : i32
      %dma_wait3A_34 = tpu.memref_slice %arg6[%mul3A_33] : memref<10000xi32, #tpu.memory_space<vmem>> -> memref<80xi32, #tpu.memory_space<vmem>>
      %dma_wait3A_35 = arith.constant 0 : i32
      %dma_wait3A_36 = arith.constant 0 : i32
      %dma_wait3A_37 = tpu.memref_slice %arg2[%dma_wait3A_35, %dma_wait3A_36] : memref<10000x128xf32, #tpu.memory_space<hbm>> -> memref<10000x128xf32, #tpu.memory_space<hbm>>
      tpu.wait_indirect_dma semaphore(%arg11 : memref<!tpu.dma_semaphore, #tpu.memory_space<semaphore_mem>>) src(%dma_wait3A_37 : memref<10000x128xf32, #tpu.memory_space<hbm>>) dst(%arg8 : memref<80x128xf32, #tpu.memory_space<vmem>>)
      %add3A_38 = arith.constant 1 : i32
      %add3A_39 = arith.addi %mul3A_31, %add3A_38 : i32
      %mul3A_40 = arith.constant 80 : i32
      %mul3A_41 = arith.muli %add3A_39, %mul3A_40 : i32
      %dma_start3A_42 = tpu.memref_slice %arg6[%mul3A_41] : memref<10000xi32, #tpu.memory_space<vmem>> -> memref<80xi32, #tpu.memory_space<vmem>>
      %dma_start3A_43 = arith.constant 0 : i32
      %dma_start3A_44 = arith.constant 0 : i32
      %dma_start3A_45 = tpu.memref_slice %arg2[%dma_start3A_43, %dma_start3A_44] : memref<10000x128xf32, #tpu.memory_space<hbm>> -> memref<10000x128xf32, #tpu.memory_space<hbm>>
      tpu.enqueue_indirect_dma source(%dma_start3A_45 : memref<10000x128xf32, #tpu.memory_space<hbm>>) target(%arg9 : memref<80x128xf32, #tpu.memory_space<vmem>>) offsets(%dma_start3A_42 : memref<80xi32, #tpu.memory_space<vmem>>) semaphore(%arg12 : memref<!tpu.dma_semaphore, #tpu.memory_space<semaphore_mem>>)
      "tpu.region"() ({
        %run_scoped3A_64 = tpu.sem_alloc : memref<!tpu.dma_semaphore, #tpu.memory_space<semaphore_mem>>
        %dma_start3A_65 = arith.constant 0 : i32
        %dma_start3A_66 = tpu.memref_slice %arg7[%mul3A_31, %dma_start3A_65] : memref<125x80xi32, #tpu.memory_space<vmem>> -> memref<1x80xi32, #tpu.memory_space<vmem>>
        %dma_start3A_67 = tpu.memref_squeeze %dma_start3A_66 : memref<1x80xi32, #tpu.memory_space<vmem>> -> memref<80xi32, #tpu.memory_space<vmem>>
        %dma_start3A_68 = arith.constant 0 : i32
        %dma_start3A_69 = arith.constant 0 : i32
        %dma_start3A_70 = tpu.memref_slice %arg10[%dma_start3A_68, %dma_start3A_69] : memref<10000x128xf32, #tpu.memory_space<vmem_shared>> -> memref<10000x128xf32, #tpu.memory_space<vmem_shared>>
        tpu.enqueue_indirect_dma source(%arg8 : memref<80x128xf32, #tpu.memory_space<vmem>>) target(%dma_start3A_70 : memref<10000x128xf32, #tpu.memory_space<vmem_shared>>) offsets(%dma_start3A_67 : memref<80xi32, #tpu.memory_space<vmem>>) semaphore(%run_scoped3A_64 : memref<!tpu.dma_semaphore, #tpu.memory_space<semaphore_mem>>) {add = true}
        %dma_wait3A_71 = arith.constant 0 : i32
        %dma_wait3A_72 = tpu.memref_slice %arg7[%mul3A_31, %dma_wait3A_71] : memref<125x80xi32, #tpu.memory_space<vmem>> -> memref<1x80xi32, #tpu.memory_space<vmem>>
        %dma_wait3A_73 = tpu.memref_squeeze %dma_wait3A_72 : memref<1x80xi32, #tpu.memory_space<vmem>> -> memref<80xi32, #tpu.memory_space<vmem>>
        %dma_wait3A_74 = arith.constant 0 : i32
        %dma_wait3A_75 = arith.constant 0 : i32
        %dma_wait3A_76 = tpu.memref_slice %arg10[%dma_wait3A_74, %dma_wait3A_75] : memref<10000x128xf32, #tpu.memory_space<vmem_shared>> -> memref<10000x128xf32, #tpu.memory_space<vmem_shared>>
        tpu.wait_indirect_dma semaphore(%run_scoped3A_64 : memref<!tpu.dma_semaphore, #tpu.memory_space<semaphore_mem>>) src(%arg8 : memref<80x128xf32, #tpu.memory_space<vmem>>) dst(%dma_wait3A_76 : memref<10000x128xf32, #tpu.memory_space<vmem_shared>>)
        tpu.yield
      }) : () -> ()
      %add3A_46 = arith.constant 2 : i32
      %add3A_47 = arith.addi %mul3A_31, %add3A_46 : i32
      %mul3A_48 = arith.constant 80 : i32
      %mul3A_49 = arith.muli %add3A_47, %mul3A_48 : i32
      %dma_start3A_50 = tpu.memref_slice %arg6[%mul3A_49] : memref<10000xi32, #tpu.memory_space<vmem>> -> memref<80xi32, #tpu.memory_space<vmem>>
      %dma_start3A_51 = arith.constant 0 : i32
      %dma_start3A_52 = arith.constant 0 : i32
      %dma_start3A_53 = tpu.memref_slice %arg2[%dma_start3A_51, %dma_start3A_52] : memref<10000x128xf32, #tpu.memory_space<hbm>> -> memref<10000x128xf32, #tpu.memory_space<hbm>>
      tpu.enqueue_indirect_dma source(%dma_start3A_53 : memref<10000x128xf32, #tpu.memory_space<hbm>>) target(%arg8 : memref<80x128xf32, #tpu.memory_space<vmem>>) offsets(%dma_start3A_50 : memref<80xi32, #tpu.memory_space<vmem>>) semaphore(%arg11 : memref<!tpu.dma_semaphore, #tpu.memory_space<semaphore_mem>>)
      %add3A_54 = arith.constant 1 : i32
      %add3A_55 = arith.addi %mul3A_31, %add3A_54 : i32
      %mul3A_56 = arith.constant 80 : i32
      %mul3A_57 = arith.muli %add3A_55, %mul3A_56 : i32
      %dma_wait3A_58 = tpu.memref_slice %arg6[%mul3A_57] : memref<10000xi32, #tpu.memory_space<vmem>> -> memref<80xi32, #tpu.memory_space<vmem>>
      %dma_wait3A_59 = arith.constant 0 : i32
      %dma_wait3A_60 = arith.constant 0 : i32
      %dma_wait3A_61 = tpu.memref_slice %arg2[%dma_wait3A_59, %dma_wait3A_60] : memref<10000x128xf32, #tpu.memory_space<hbm>> -> memref<10000x128xf32, #tpu.memory_space<hbm>>
      tpu.wait_indirect_dma semaphore(%arg12 : memref<!tpu.dma_semaphore, #tpu.memory_space<semaphore_mem>>) src(%dma_wait3A_61 : memref<10000x128xf32, #tpu.memory_space<hbm>>) dst(%arg9 : memref<80x128xf32, #tpu.memory_space<vmem>>)
      %add3A_62 = arith.constant 1 : i32
      %add3A_63 = arith.addi %mul3A_31, %add3A_62 : i32
      "tpu.region"() ({
        %run_scoped3A_64 = tpu.sem_alloc : memref<!tpu.dma_semaphore, #tpu.memory_space<semaphore_mem>>
        %dma_start3A_65 = arith.constant 0 : i32
        %dma_start3A_66 = tpu.memref_slice %arg7[%add3A_63, %dma_start3A_65] : memref<125x80xi32, #tpu.memory_space<vmem>> -> memref<1x80xi32, #tpu.memory_space<vmem>>
        %dma_start3A_67 = tpu.memref_squeeze %dma_start3A_66 : memref<1x80xi32, #tpu.memory_space<vmem>> -> memref<80xi32, #tpu.memory_space<vmem>>
        %dma_start3A_68 = arith.constant 0 : i32
        %dma_start3A_69 = arith.constant 0 : i32
        %dma_start3A_70 = tpu.memref_slice %arg10[%dma_start3A_68, %dma_start3A_69] : memref<10000x128xf32, #tpu.memory_space<vmem_shared>> -> memref<10000x128xf32, #tpu.memory_space<vmem_shared>>
        tpu.enqueue_indirect_dma source(%arg9 : memref<80x128xf32, #tpu.memory_space<vmem>>) target(%dma_start3A_70 : memref<10000x128xf32, #tpu.memory_space<vmem_shared>>) offsets(%dma_start3A_67 : memref<80xi32, #tpu.memory_space<vmem>>) semaphore(%run_scoped3A_64 : memref<!tpu.dma_semaphore, #tpu.memory_space<semaphore_mem>>) {add = true}
        %dma_wait3A_71 = arith.constant 0 : i32
        %dma_wait3A_72 = tpu.memref_slice %arg7[%add3A_63, %dma_wait3A_71] : memref<125x80xi32, #tpu.memory_space<vmem>> -> memref<1x80xi32, #tpu.memory_space<vmem>>
        %dma_wait3A_73 = tpu.memref_squeeze %dma_wait3A_72 : memref<1x80xi32, #tpu.memory_space<vmem>> -> memref<80xi32, #tpu.memory_space<vmem>>
        %dma_wait3A_74 = arith.constant 0 : i32
        %dma_wait3A_75 = arith.constant 0 : i32
        %dma_wait3A_76 = tpu.memref_slice %arg10[%dma_wait3A_74, %dma_wait3A_75] : memref<10000x128xf32, #tpu.memory_space<vmem_shared>> -> memref<10000x128xf32, #tpu.memory_space<vmem_shared>>
        tpu.wait_indirect_dma semaphore(%run_scoped3A_64 : memref<!tpu.dma_semaphore, #tpu.memory_space<semaphore_mem>>) src(%arg9 : memref<80x128xf32, #tpu.memory_space<vmem>>) dst(%dma_wait3A_76 : memref<10000x128xf32, #tpu.memory_space<vmem_shared>>)
        tpu.yield
      }) : () -> ()
    }
    %scan3A_12 = arith.constant 62 : i32
    %dma_wait3A = arith.constant 9920 : i32
    %dma_wait3A_13 = tpu.memref_slice %arg6[%dma_wait3A] : memref<10000xi32, #tpu.memory_space<vmem>> -> memref<80xi32, #tpu.memory_space<vmem>>
    %dma_wait3A_14 = arith.constant 0 : i32
    %dma_wait3A_15 = arith.constant 0 : i32
    %dma_wait3A_16 = tpu.memref_slice %arg2[%dma_wait3A_14, %dma_wait3A_15] : memref<10000x128xf32, #tpu.memory_space<hbm>> -> memref<10000x128xf32, #tpu.memory_space<hbm>>
    tpu.wait_indirect_dma semaphore(%arg11 : memref<!tpu.dma_semaphore, #tpu.memory_space<semaphore_mem>>) src(%dma_wait3A_16 : memref<10000x128xf32, #tpu.memory_space<hbm>>) dst(%arg8 : memref<80x128xf32, #tpu.memory_space<vmem>>)
    %run_scoped3A = arith.constant 124 : i32
    "tpu.region"() ({
      %run_scoped3A_25 = tpu.sem_alloc : memref<!tpu.dma_semaphore, #tpu.memory_space<semaphore_mem>>
      %dma_start3A_26 = arith.constant 0 : i32
      %dma_start3A_27 = tpu.memref_slice %arg7[%run_scoped3A, %dma_start3A_26] : memref<125x80xi32, #tpu.memory_space<vmem>> -> memref<1x80xi32, #tpu.memory_space<vmem>>
      %dma_start3A_28 = tpu.memref_squeeze %dma_start3A_27 : memref<1x80xi32, #tpu.memory_space<vmem>> -> memref<80xi32, #tpu.memory_space<vmem>>
      %dma_start3A_29 = arith.constant 0 : i32
      %dma_start3A_30 = arith.constant 0 : i32
      %dma_start3A_31 = tpu.memref_slice %arg10[%dma_start3A_29, %dma_start3A_30] : memref<10000x128xf32, #tpu.memory_space<vmem_shared>> -> memref<10000x128xf32, #tpu.memory_space<vmem_shared>>
      tpu.enqueue_indirect_dma source(%arg8 : memref<80x128xf32, #tpu.memory_space<vmem>>) target(%dma_start3A_31 : memref<10000x128xf32, #tpu.memory_space<vmem_shared>>) offsets(%dma_start3A_28 : memref<80xi32, #tpu.memory_space<vmem>>) semaphore(%run_scoped3A_25 : memref<!tpu.dma_semaphore, #tpu.memory_space<semaphore_mem>>) {add = true}
      %dma_wait3A_32 = arith.constant 0 : i32
      %dma_wait3A_33 = tpu.memref_slice %arg7[%run_scoped3A, %dma_wait3A_32] : memref<125x80xi32, #tpu.memory_space<vmem>> -> memref<1x80xi32, #tpu.memory_space<vmem>>
      %dma_wait3A_34 = tpu.memref_squeeze %dma_wait3A_33 : memref<1x80xi32, #tpu.memory_space<vmem>> -> memref<80xi32, #tpu.memory_space<vmem>>
      %dma_wait3A_35 = arith.constant 0 : i32
      %dma_wait3A_36 = arith.constant 0 : i32
      %dma_wait3A_37 = tpu.memref_slice %arg10[%dma_wait3A_35, %dma_wait3A_36] : memref<10000x128xf32, #tpu.memory_space<vmem_shared>> -> memref<10000x128xf32, #tpu.memory_space<vmem_shared>>
      tpu.wait_indirect_dma semaphore(%run_scoped3A_25 : memref<!tpu.dma_semaphore, #tpu.memory_space<semaphore_mem>>) src(%arg8 : memref<80x128xf32, #tpu.memory_space<vmem>>) dst(%dma_wait3A_37 : memref<10000x128xf32, #tpu.memory_space<vmem_shared>>)
      tpu.yield
    }) : () -> ()
    %barrier3A_17 = arith.constant 0 : index
    tpu.barrier barrier_id(%barrier3A_17)
    %mul3A_18 = arith.constant 624 : i32
    %mul3A_19 = arith.muli %arg1, %mul3A_18 : i32
    "tpu.region"() ({
      %run_scoped3A_25 = tpu.sem_alloc : memref<!tpu.dma_semaphore, #tpu.memory_space<semaphore_mem>>
      %dma_start3A_26 = arith.constant 0 : i32
      %dma_start3A_27 = tpu.memref_slice %arg5[%arg0, %mul3A_19, %dma_start3A_26] : memref<2x10000x128xf32, #tpu.memory_space<hbm>> -> memref<1x624x128xf32, #tpu.memory_space<hbm>>
      %dma_start3A_28 = tpu.memref_squeeze %dma_start3A_27 : memref<1x624x128xf32, #tpu.memory_space<hbm>> -> memref<624x128xf32, #tpu.memory_space<hbm>>
      %dma_start3A_29 = arith.constant 0 : i32
      %dma_start3A_30 = tpu.memref_slice %arg10[%mul3A_19, %dma_start3A_29] : memref<10000x128xf32, #tpu.memory_space<vmem_shared>> -> memref<624x128xf32, #tpu.memory_space<vmem_shared>>
      tpu.enqueue_dma source(%dma_start3A_30 : memref<624x128xf32, #tpu.memory_space<vmem_shared>>) target(%dma_start3A_28 : memref<624x128xf32, #tpu.memory_space<hbm>>) target_semaphore(%run_scoped3A_25 : memref<!tpu.dma_semaphore, #tpu.memory_space<semaphore_mem>>)
      %dma_wait3A_31 = arith.constant 0 : i32
      %dma_wait3A_32 = tpu.memref_slice %arg5[%arg0, %mul3A_19, %dma_wait3A_31] : memref<2x10000x128xf32, #tpu.memory_space<hbm>> -> memref<1x624x128xf32, #tpu.memory_space<hbm>>
      %dma_wait3A_33 = tpu.memref_squeeze %dma_wait3A_32 : memref<1x624x128xf32, #tpu.memory_space<hbm>> -> memref<624x128xf32, #tpu.memory_space<hbm>>
      %dma_wait3A_34 = arith.constant 0 : i32
      %dma_wait3A_35 = tpu.memref_slice %arg10[%mul3A_19, %dma_wait3A_34] : memref<10000x128xf32, #tpu.memory_space<vmem_shared>> -> memref<624x128xf32, #tpu.memory_space<vmem_shared>>
      tpu.wait_dma2 semaphore(%run_scoped3A_25 : memref<!tpu.dma_semaphore, #tpu.memory_space<semaphore_mem>>) src(%dma_wait3A_35 : memref<624x128xf32, #tpu.memory_space<vmem_shared>>) dst(%dma_wait3A_33 : memref<624x128xf32, #tpu.memory_space<hbm>>)
      tpu.yield
    }) : () -> ()
    %eq3A_20 = arith.constant 15 : i32
    %eq3A_21 = arith.cmpi eq, %arg1, %eq3A_20 : i32
    %convert_element_type3A_22 = arith.extui %eq3A_21 : i1 to i32
    %cond3A_23 = arith.constant 0 : i32
    %cond3A_24 = arith.cmpi ne, %convert_element_type3A_22, %cond3A_23 : i32
    scf.if %cond3A_24 {
      "tpu.region"() ({
        %run_scoped3A_25 = tpu.sem_alloc : memref<!tpu.dma_semaphore, #tpu.memory_space<semaphore_mem>>
        %dma_start3A_26 = arith.constant 9984 : i32
        %dma_start3A_27 = arith.constant 0 : i32
        %dma_start3A_28 = tpu.memref_slice %arg5[%arg0, %dma_start3A_26, %dma_start3A_27] : memref<2x10000x128xf32, #tpu.memory_space<hbm>> -> memref<1x16x128xf32, #tpu.memory_space<hbm>>
        %dma_start3A_29 = tpu.memref_squeeze %dma_start3A_28 : memref<1x16x128xf32, #tpu.memory_space<hbm>> -> memref<16x128xf32, #tpu.memory_space<hbm>>
        %dma_start3A_30 = arith.constant 9984 : i32
        %dma_start3A_31 = arith.constant 0 : i32
        %dma_start3A_32 = tpu.memref_slice %arg10[%dma_start3A_30, %dma_start3A_31] : memref<10000x128xf32, #tpu.memory_space<vmem_shared>> -> memref<16x128xf32, #tpu.memory_space<vmem_shared>>
        tpu.enqueue_dma source(%dma_start3A_32 : memref<16x128xf32, #tpu.memory_space<vmem_shared>>) target(%dma_start3A_29 : memref<16x128xf32, #tpu.memory_space<hbm>>) target_semaphore(%run_scoped3A_25 : memref<!tpu.dma_semaphore, #tpu.memory_space<semaphore_mem>>)
        %dma_wait3A_33 = arith.constant 9984 : i32
        %dma_wait3A_34 = arith.constant 0 : i32
        %dma_wait3A_35 = tpu.memref_slice %arg5[%arg0, %dma_wait3A_33, %dma_wait3A_34] : memref<2x10000x128xf32, #tpu.memory_space<hbm>> -> memref<1x16x128xf32, #tpu.memory_space<hbm>>
        %dma_wait3A_36 = tpu.memref_squeeze %dma_wait3A_35 : memref<1x16x128xf32, #tpu.memory_space<hbm>> -> memref<16x128xf32, #tpu.memory_space<hbm>>
        %dma_wait3A_37 = arith.constant 9984 : i32
        %dma_wait3A_38 = arith.constant 0 : i32
        %dma_wait3A_39 = tpu.memref_slice %arg10[%dma_wait3A_37, %dma_wait3A_38] : memref<10000x128xf32, #tpu.memory_space<vmem_shared>> -> memref<16x128xf32, #tpu.memory_space<vmem_shared>>
        tpu.wait_dma2 semaphore(%run_scoped3A_25 : memref<!tpu.dma_semaphore, #tpu.memory_space<semaphore_mem>>) src(%dma_wait3A_39 : memref<16x128xf32, #tpu.memory_space<vmem_shared>>) dst(%dma_wait3A_36 : memref<16x128xf32, #tpu.memory_space<hbm>>)
        tpu.yield
      }) : () -> ()
    } else {
    }
    return
  }
}

#map = affine_map<(d0, d1) -> (0, 0)>
#map1 = affine_map<(d0, d1) -> (0, 0, 0)>
module attributes {stable_mosaic.version = 14 : i64} {
  func.func @_edge_kernel(%arg0: i32, %arg1: i32, %arg2: memref<10000x128xf32, #tpu.memory_space<hbm>>, %arg3: memref<32x10000xi32, #tpu.memory_space<hbm>>, %arg4: memref<32x125x80xi32, #tpu.memory_space<hbm>>, %arg5: memref<2x10000x128xf32, #tpu.memory_space<hbm>>, %arg6: memref<10000xi32, #tpu.memory_space<vmem>>, %arg7: memref<125x80xi32, #tpu.memory_space<vmem>>, %arg8: memref<80x128xf32, #tpu.memory_space<vmem>>, %arg9: memref<80x128xf32, #tpu.memory_space<vmem>>, %arg10: memref<10000x128xf32, #tpu.memory_space<vmem_shared>>, %arg11: memref<!tpu.dma_semaphore, #tpu.memory_space<semaphore_mem>>, %arg12: memref<!tpu.dma_semaphore, #tpu.memory_space<semaphore_mem>>) attributes {dimension_semantics = [#tpu.dimension_semantics<core_parallel>, #tpu.dimension_semantics<subcore_parallel>], iteration_bounds = array<i64: 2, 16>, scalar_prefetch = 0 : i64, scratch_operands = 7 : i64, tpu.core_type = #tpu.core_type<sc_vector_subcore>, window_params = [{transform_indices = #map}, {transform_indices = #map}, {transform_indices = #map1}, {transform_indices = #map1}]} {
    %mul3A = arith.constant 2 : i32
    %mul3A_0 = arith.muli %arg1, %mul3A : i32
    %add3A = arith.addi %mul3A_0, %arg0 : i32
    "tpu.region"() ({
      %run_scoped3A_25 = tpu.sem_alloc : memref<!tpu.dma_semaphore, #tpu.memory_space<semaphore_mem>>
      %dma_start3A_26 = arith.constant 0 : i32
      %dma_start3A_27 = tpu.memref_slice %arg3[%add3A, %dma_start3A_26] : memref<32x10000xi32, #tpu.memory_space<hbm>> -> memref<1x10000xi32, #tpu.memory_space<hbm>>
      %dma_start3A_28 = tpu.memref_squeeze %dma_start3A_27 : memref<1x10000xi32, #tpu.memory_space<hbm>> -> memref<10000xi32, #tpu.memory_space<hbm>>
      %dma_start3A_29 = arith.constant 0 : i32
      %dma_start3A_30 = tpu.memref_slice %arg3[%add3A, %dma_start3A_29] : memref<32x10000xi32, #tpu.memory_space<hbm>> -> memref<1x10000xi32, #tpu.memory_space<hbm>>
      %dma_start3A_31 = tpu.memref_squeeze %dma_start3A_30 : memref<1x10000xi32, #tpu.memory_space<hbm>> -> memref<10000xi32, #tpu.memory_space<hbm>>
      tpu.enqueue_dma source(%dma_start3A_31 : memref<10000xi32, #tpu.memory_space<hbm>>) target(%arg6 : memref<10000xi32, #tpu.memory_space<vmem>>) target_semaphore(%run_scoped3A_25 : memref<!tpu.dma_semaphore, #tpu.memory_space<semaphore_mem>>)
      %dma_wait3A_32 = arith.constant 0 : i32
      %dma_wait3A_33 = tpu.memref_slice %arg3[%add3A, %dma_wait3A_32] : memref<32x10000xi32, #tpu.memory_space<hbm>> -> memref<1x10000xi32, #tpu.memory_space<hbm>>
      %dma_wait3A_34 = tpu.memref_squeeze %dma_wait3A_33 : memref<1x10000xi32, #tpu.memory_space<hbm>> -> memref<10000xi32, #tpu.memory_space<hbm>>
      %dma_wait3A_35 = arith.constant 0 : i32
      %dma_wait3A_36 = tpu.memref_slice %arg3[%add3A, %dma_wait3A_35] : memref<32x10000xi32, #tpu.memory_space<hbm>> -> memref<1x10000xi32, #tpu.memory_space<hbm>>
      %dma_wait3A_37 = tpu.memref_squeeze %dma_wait3A_36 : memref<1x10000xi32, #tpu.memory_space<hbm>> -> memref<10000xi32, #tpu.memory_space<hbm>>
      tpu.wait_dma2 semaphore(%run_scoped3A_25 : memref<!tpu.dma_semaphore, #tpu.memory_space<semaphore_mem>>) src(%dma_wait3A_37 : memref<10000xi32, #tpu.memory_space<hbm>>) dst(%arg6 : memref<10000xi32, #tpu.memory_space<vmem>>)
      tpu.yield
    }) : () -> ()
    "tpu.region"() ({
      %run_scoped3A_25 = tpu.sem_alloc : memref<!tpu.dma_semaphore, #tpu.memory_space<semaphore_mem>>
      %dma_start3A_26 = arith.constant 0 : i32
      %dma_start3A_27 = arith.constant 0 : i32
      %dma_start3A_28 = tpu.memref_slice %arg4[%add3A, %dma_start3A_26, %dma_start3A_27] : memref<32x125x80xi32, #tpu.memory_space<hbm>> -> memref<1x125x80xi32, #tpu.memory_space<hbm>>
      %dma_start3A_29 = tpu.memref_squeeze %dma_start3A_28 : memref<1x125x80xi32, #tpu.memory_space<hbm>> -> memref<125x80xi32, #tpu.memory_space<hbm>>
      %dma_start3A_30 = arith.constant 0 : i32
      %dma_start3A_31 = arith.constant 0 : i32
      %dma_start3A_32 = tpu.memref_slice %arg4[%add3A, %dma_start3A_30, %dma_start3A_31] : memref<32x125x80xi32, #tpu.memory_space<hbm>> -> memref<1x125x80xi32, #tpu.memory_space<hbm>>
      %dma_start3A_33 = tpu.memref_squeeze %dma_start3A_32 : memref<1x125x80xi32, #tpu.memory_space<hbm>> -> memref<125x80xi32, #tpu.memory_space<hbm>>
      tpu.enqueue_dma source(%dma_start3A_33 : memref<125x80xi32, #tpu.memory_space<hbm>>) target(%arg7 : memref<125x80xi32, #tpu.memory_space<vmem>>) target_semaphore(%run_scoped3A_25 : memref<!tpu.dma_semaphore, #tpu.memory_space<semaphore_mem>>)
      %dma_wait3A_34 = arith.constant 0 : i32
      %dma_wait3A_35 = arith.constant 0 : i32
      %dma_wait3A_36 = tpu.memref_slice %arg4[%add3A, %dma_wait3A_34, %dma_wait3A_35] : memref<32x125x80xi32, #tpu.memory_space<hbm>> -> memref<1x125x80xi32, #tpu.memory_space<hbm>>
      %dma_wait3A_37 = tpu.memref_squeeze %dma_wait3A_36 : memref<1x125x80xi32, #tpu.memory_space<hbm>> -> memref<125x80xi32, #tpu.memory_space<hbm>>
      %dma_wait3A_38 = arith.constant 0 : i32
      %dma_wait3A_39 = arith.constant 0 : i32
      %dma_wait3A_40 = tpu.memref_slice %arg4[%add3A, %dma_wait3A_38, %dma_wait3A_39] : memref<32x125x80xi32, #tpu.memory_space<hbm>> -> memref<1x125x80xi32, #tpu.memory_space<hbm>>
      %dma_wait3A_41 = tpu.memref_squeeze %dma_wait3A_40 : memref<1x125x80xi32, #tpu.memory_space<hbm>> -> memref<125x80xi32, #tpu.memory_space<hbm>>
      tpu.wait_dma2 semaphore(%run_scoped3A_25 : memref<!tpu.dma_semaphore, #tpu.memory_space<semaphore_mem>>) src(%dma_wait3A_41 : memref<125x80xi32, #tpu.memory_space<hbm>>) dst(%arg7 : memref<125x80xi32, #tpu.memory_space<vmem>>)
      tpu.yield
    }) : () -> ()
    %mul3A_1 = arith.constant 624 : i32
    %mul3A_2 = arith.muli %arg1, %mul3A_1 : i32
    "tpu.region"() ({
      %run_scoped3A_25 = tpu.sem_alloc : memref<!tpu.dma_semaphore, #tpu.memory_space<semaphore_mem>>
      %dma_start3A_26 = arith.constant 0 : i32
      %dma_start3A_27 = tpu.memref_slice %arg10[%mul3A_2, %dma_start3A_26] : memref<10000x128xf32, #tpu.memory_space<vmem_shared>> -> memref<624x128xf32, #tpu.memory_space<vmem_shared>>
      %dma_start3A_28 = arith.constant 0 : i32
      %dma_start3A_29 = tpu.memref_slice %arg2[%mul3A_2, %dma_start3A_28] : memref<10000x128xf32, #tpu.memory_space<hbm>> -> memref<624x128xf32, #tpu.memory_space<hbm>>
      tpu.enqueue_dma source(%dma_start3A_29 : memref<624x128xf32, #tpu.memory_space<hbm>>) target(%dma_start3A_27 : memref<624x128xf32, #tpu.memory_space<vmem_shared>>) target_semaphore(%run_scoped3A_25 : memref<!tpu.dma_semaphore, #tpu.memory_space<semaphore_mem>>)
      %dma_wait3A_30 = arith.constant 0 : i32
      %dma_wait3A_31 = tpu.memref_slice %arg10[%mul3A_2, %dma_wait3A_30] : memref<10000x128xf32, #tpu.memory_space<vmem_shared>> -> memref<624x128xf32, #tpu.memory_space<vmem_shared>>
      %dma_wait3A_32 = arith.constant 0 : i32
      %dma_wait3A_33 = tpu.memref_slice %arg2[%mul3A_2, %dma_wait3A_32] : memref<10000x128xf32, #tpu.memory_space<hbm>> -> memref<624x128xf32, #tpu.memory_space<hbm>>
      tpu.wait_dma2 semaphore(%run_scoped3A_25 : memref<!tpu.dma_semaphore, #tpu.memory_space<semaphore_mem>>) src(%dma_wait3A_33 : memref<624x128xf32, #tpu.memory_space<hbm>>) dst(%dma_wait3A_31 : memref<624x128xf32, #tpu.memory_space<vmem_shared>>)
      tpu.yield
    }) : () -> ()
    %eq3A = arith.constant 15 : i32
    %eq3A_3 = arith.cmpi eq, %arg1, %eq3A : i32
    %convert_element_type3A = arith.extui %eq3A_3 : i1 to i32
    %cond3A = arith.constant 0 : i32
    %cond3A_4 = arith.cmpi ne, %convert_element_type3A, %cond3A : i32
    scf.if %cond3A_4 {
      "tpu.region"() ({
        %run_scoped3A_25 = tpu.sem_alloc : memref<!tpu.dma_semaphore, #tpu.memory_space<semaphore_mem>>
        %dma_start3A_26 = arith.constant 9984 : i32
        %dma_start3A_27 = arith.constant 0 : i32
        %dma_start3A_28 = tpu.memref_slice %arg10[%dma_start3A_26, %dma_start3A_27] : memref<10000x128xf32, #tpu.memory_space<vmem_shared>> -> memref<16x128xf32, #tpu.memory_space<vmem_shared>>
        %dma_start3A_29 = arith.constant 9984 : i32
        %dma_start3A_30 = arith.constant 0 : i32
        %dma_start3A_31 = tpu.memref_slice %arg2[%dma_start3A_29, %dma_start3A_30] : memref<10000x128xf32, #tpu.memory_space<hbm>> -> memref<16x128xf32, #tpu.memory_space<hbm>>
        tpu.enqueue_dma source(%dma_start3A_31 : memref<16x128xf32, #tpu.memory_space<hbm>>) target(%dma_start3A_28 : memref<16x128xf32, #tpu.memory_space<vmem_shared>>) target_semaphore(%run_scoped3A_25 : memref<!tpu.dma_semaphore, #tpu.memory_space<semaphore_mem>>)
        %dma_wait3A_32 = arith.constant 9984 : i32
        %dma_wait3A_33 = arith.constant 0 : i32
        %dma_wait3A_34 = tpu.memref_slice %arg10[%dma_wait3A_32, %dma_wait3A_33] : memref<10000x128xf32, #tpu.memory_space<vmem_shared>> -> memref<16x128xf32, #tpu.memory_space<vmem_shared>>
        %dma_wait3A_35 = arith.constant 9984 : i32
        %dma_wait3A_36 = arith.constant 0 : i32
        %dma_wait3A_37 = tpu.memref_slice %arg2[%dma_wait3A_35, %dma_wait3A_36] : memref<10000x128xf32, #tpu.memory_space<hbm>> -> memref<16x128xf32, #tpu.memory_space<hbm>>
        tpu.wait_dma2 semaphore(%run_scoped3A_25 : memref<!tpu.dma_semaphore, #tpu.memory_space<semaphore_mem>>) src(%dma_wait3A_37 : memref<16x128xf32, #tpu.memory_space<hbm>>) dst(%dma_wait3A_34 : memref<16x128xf32, #tpu.memory_space<vmem_shared>>)
        tpu.yield
      }) : () -> ()
    } else {
    }
    %barrier3A = arith.constant 0 : index
    tpu.barrier barrier_id(%barrier3A)
    %dma_start3A = arith.constant 0 : i32
    %dma_start3A_5 = tpu.memref_slice %arg6[%dma_start3A] : memref<10000xi32, #tpu.memory_space<vmem>> -> memref<80xi32, #tpu.memory_space<vmem>>
    %dma_start3A_6 = arith.constant 0 : i32
    %dma_start3A_7 = arith.constant 0 : i32
    %dma_start3A_8 = tpu.memref_slice %arg2[%dma_start3A_6, %dma_start3A_7] : memref<10000x128xf32, #tpu.memory_space<hbm>> -> memref<10000x128xf32, #tpu.memory_space<hbm>>
    tpu.enqueue_indirect_dma source(%dma_start3A_8 : memref<10000x128xf32, #tpu.memory_space<hbm>>) target(%arg8 : memref<80x128xf32, #tpu.memory_space<vmem>>) offsets(%dma_start3A_5 : memref<80xi32, #tpu.memory_space<vmem>>) semaphore(%arg11 : memref<!tpu.dma_semaphore, #tpu.memory_space<semaphore_mem>>)
    %scan3A = arith.constant 0 : i32
    %scan3A_9 = arith.constant 62 : i32
    %scan3A_10 = arith.addi %scan3A, %scan3A_9 : i32
    %scan3A_11 = arith.constant 1 : i32
    scf.for %scan3A_25 = %scan3A to %scan3A_10 step %scan3A_11  : i32 {
      %mul3A_26 = arith.constant 1 : i32
      %mul3A_27 = arith.muli %scan3A_25, %mul3A_26 : i32
      %add3A_28 = arith.constant 0 : i32
      %add3A_29 = arith.addi %add3A_28, %mul3A_27 : i32
      %mul3A_30 = arith.constant 2 : i32
      %mul3A_31 = arith.muli %mul3A_30, %add3A_29 : i32
      %mul3A_32 = arith.constant 80 : i32
      %mul3A_33 = arith.muli %mul3A_31, %mul3A_32 : i32
      %dma_wait3A_34 = tpu.memref_slice %arg6[%mul3A_33] : memref<10000xi32, #tpu.memory_space<vmem>> -> memref<80xi32, #tpu.memory_space<vmem>>
      %dma_wait3A_35 = arith.constant 0 : i32
      %dma_wait3A_36 = arith.constant 0 : i32
      %dma_wait3A_37 = tpu.memref_slice %arg2[%dma_wait3A_35, %dma_wait3A_36] : memref<10000x128xf32, #tpu.memory_space<hbm>> -> memref<10000x128xf32, #tpu.memory_space<hbm>>
      tpu.wait_indirect_dma semaphore(%arg11 : memref<!tpu.dma_semaphore, #tpu.memory_space<semaphore_mem>>) src(%dma_wait3A_37 : memref<10000x128xf32, #tpu.memory_space<hbm>>) dst(%arg8 : memref<80x128xf32, #tpu.memory_space<vmem>>)
      %add3A_38 = arith.constant 1 : i32
      %add3A_39 = arith.addi %mul3A_31, %add3A_38 : i32
      %mul3A_40 = arith.constant 80 : i32
      %mul3A_41 = arith.muli %add3A_39, %mul3A_40 : i32
      %dma_start3A_42 = tpu.memref_slice %arg6[%mul3A_41] : memref<10000xi32, #tpu.memory_space<vmem>> -> memref<80xi32, #tpu.memory_space<vmem>>
      %dma_start3A_43 = arith.constant 0 : i32
      %dma_start3A_44 = arith.constant 0 : i32
      %dma_start3A_45 = tpu.memref_slice %arg2[%dma_start3A_43, %dma_start3A_44] : memref<10000x128xf32, #tpu.memory_space<hbm>> -> memref<10000x128xf32, #tpu.memory_space<hbm>>
      tpu.enqueue_indirect_dma source(%dma_start3A_45 : memref<10000x128xf32, #tpu.memory_space<hbm>>) target(%arg9 : memref<80x128xf32, #tpu.memory_space<vmem>>) offsets(%dma_start3A_42 : memref<80xi32, #tpu.memory_space<vmem>>) semaphore(%arg12 : memref<!tpu.dma_semaphore, #tpu.memory_space<semaphore_mem>>)
      "tpu.region"() ({
        %run_scoped3A_64 = tpu.sem_alloc : memref<!tpu.dma_semaphore, #tpu.memory_space<semaphore_mem>>
        %dma_start3A_65 = arith.constant 0 : i32
        %dma_start3A_66 = tpu.memref_slice %arg7[%mul3A_31, %dma_start3A_65] : memref<125x80xi32, #tpu.memory_space<vmem>> -> memref<1x80xi32, #tpu.memory_space<vmem>>
        %dma_start3A_67 = tpu.memref_squeeze %dma_start3A_66 : memref<1x80xi32, #tpu.memory_space<vmem>> -> memref<80xi32, #tpu.memory_space<vmem>>
        %dma_start3A_68 = arith.constant 0 : i32
        %dma_start3A_69 = arith.constant 0 : i32
        %dma_start3A_70 = tpu.memref_slice %arg10[%dma_start3A_68, %dma_start3A_69] : memref<10000x128xf32, #tpu.memory_space<vmem_shared>> -> memref<10000x128xf32, #tpu.memory_space<vmem_shared>>
        tpu.enqueue_indirect_dma source(%arg8 : memref<80x128xf32, #tpu.memory_space<vmem>>) target(%dma_start3A_70 : memref<10000x128xf32, #tpu.memory_space<vmem_shared>>) offsets(%dma_start3A_67 : memref<80xi32, #tpu.memory_space<vmem>>) semaphore(%run_scoped3A_64 : memref<!tpu.dma_semaphore, #tpu.memory_space<semaphore_mem>>) {add = true}
        %dma_wait3A_71 = arith.constant 0 : i32
        %dma_wait3A_72 = tpu.memref_slice %arg7[%mul3A_31, %dma_wait3A_71] : memref<125x80xi32, #tpu.memory_space<vmem>> -> memref<1x80xi32, #tpu.memory_space<vmem>>
        %dma_wait3A_73 = tpu.memref_squeeze %dma_wait3A_72 : memref<1x80xi32, #tpu.memory_space<vmem>> -> memref<80xi32, #tpu.memory_space<vmem>>
        %dma_wait3A_74 = arith.constant 0 : i32
        %dma_wait3A_75 = arith.constant 0 : i32
        %dma_wait3A_76 = tpu.memref_slice %arg10[%dma_wait3A_74, %dma_wait3A_75] : memref<10000x128xf32, #tpu.memory_space<vmem_shared>> -> memref<10000x128xf32, #tpu.memory_space<vmem_shared>>
        tpu.wait_indirect_dma semaphore(%run_scoped3A_64 : memref<!tpu.dma_semaphore, #tpu.memory_space<semaphore_mem>>) src(%arg8 : memref<80x128xf32, #tpu.memory_space<vmem>>) dst(%dma_wait3A_76 : memref<10000x128xf32, #tpu.memory_space<vmem_shared>>)
        tpu.yield
      }) : () -> ()
      %add3A_46 = arith.constant 2 : i32
      %add3A_47 = arith.addi %mul3A_31, %add3A_46 : i32
      %mul3A_48 = arith.constant 80 : i32
      %mul3A_49 = arith.muli %add3A_47, %mul3A_48 : i32
      %dma_start3A_50 = tpu.memref_slice %arg6[%mul3A_49] : memref<10000xi32, #tpu.memory_space<vmem>> -> memref<80xi32, #tpu.memory_space<vmem>>
      %dma_start3A_51 = arith.constant 0 : i32
      %dma_start3A_52 = arith.constant 0 : i32
      %dma_start3A_53 = tpu.memref_slice %arg2[%dma_start3A_51, %dma_start3A_52] : memref<10000x128xf32, #tpu.memory_space<hbm>> -> memref<10000x128xf32, #tpu.memory_space<hbm>>
      tpu.enqueue_indirect_dma source(%dma_start3A_53 : memref<10000x128xf32, #tpu.memory_space<hbm>>) target(%arg8 : memref<80x128xf32, #tpu.memory_space<vmem>>) offsets(%dma_start3A_50 : memref<80xi32, #tpu.memory_space<vmem>>) semaphore(%arg11 : memref<!tpu.dma_semaphore, #tpu.memory_space<semaphore_mem>>)
      %add3A_54 = arith.constant 1 : i32
      %add3A_55 = arith.addi %mul3A_31, %add3A_54 : i32
      %mul3A_56 = arith.constant 80 : i32
      %mul3A_57 = arith.muli %add3A_55, %mul3A_56 : i32
      %dma_wait3A_58 = tpu.memref_slice %arg6[%mul3A_57] : memref<10000xi32, #tpu.memory_space<vmem>> -> memref<80xi32, #tpu.memory_space<vmem>>
      %dma_wait3A_59 = arith.constant 0 : i32
      %dma_wait3A_60 = arith.constant 0 : i32
      %dma_wait3A_61 = tpu.memref_slice %arg2[%dma_wait3A_59, %dma_wait3A_60] : memref<10000x128xf32, #tpu.memory_space<hbm>> -> memref<10000x128xf32, #tpu.memory_space<hbm>>
      tpu.wait_indirect_dma semaphore(%arg12 : memref<!tpu.dma_semaphore, #tpu.memory_space<semaphore_mem>>) src(%dma_wait3A_61 : memref<10000x128xf32, #tpu.memory_space<hbm>>) dst(%arg9 : memref<80x128xf32, #tpu.memory_space<vmem>>)
      %add3A_62 = arith.constant 1 : i32
      %add3A_63 = arith.addi %mul3A_31, %add3A_62 : i32
      "tpu.region"() ({
        %run_scoped3A_64 = tpu.sem_alloc : memref<!tpu.dma_semaphore, #tpu.memory_space<semaphore_mem>>
        %dma_start3A_65 = arith.constant 0 : i32
        %dma_start3A_66 = tpu.memref_slice %arg7[%add3A_63, %dma_start3A_65] : memref<125x80xi32, #tpu.memory_space<vmem>> -> memref<1x80xi32, #tpu.memory_space<vmem>>
        %dma_start3A_67 = tpu.memref_squeeze %dma_start3A_66 : memref<1x80xi32, #tpu.memory_space<vmem>> -> memref<80xi32, #tpu.memory_space<vmem>>
        %dma_start3A_68 = arith.constant 0 : i32
        %dma_start3A_69 = arith.constant 0 : i32
        %dma_start3A_70 = tpu.memref_slice %arg10[%dma_start3A_68, %dma_start3A_69] : memref<10000x128xf32, #tpu.memory_space<vmem_shared>> -> memref<10000x128xf32, #tpu.memory_space<vmem_shared>>
        tpu.enqueue_indirect_dma source(%arg9 : memref<80x128xf32, #tpu.memory_space<vmem>>) target(%dma_start3A_70 : memref<10000x128xf32, #tpu.memory_space<vmem_shared>>) offsets(%dma_start3A_67 : memref<80xi32, #tpu.memory_space<vmem>>) semaphore(%run_scoped3A_64 : memref<!tpu.dma_semaphore, #tpu.memory_space<semaphore_mem>>) {add = true}
        %dma_wait3A_71 = arith.constant 0 : i32
        %dma_wait3A_72 = tpu.memref_slice %arg7[%add3A_63, %dma_wait3A_71] : memref<125x80xi32, #tpu.memory_space<vmem>> -> memref<1x80xi32, #tpu.memory_space<vmem>>
        %dma_wait3A_73 = tpu.memref_squeeze %dma_wait3A_72 : memref<1x80xi32, #tpu.memory_space<vmem>> -> memref<80xi32, #tpu.memory_space<vmem>>
        %dma_wait3A_74 = arith.constant 0 : i32
        %dma_wait3A_75 = arith.constant 0 : i32
        %dma_wait3A_76 = tpu.memref_slice %arg10[%dma_wait3A_74, %dma_wait3A_75] : memref<10000x128xf32, #tpu.memory_space<vmem_shared>> -> memref<10000x128xf32, #tpu.memory_space<vmem_shared>>
        tpu.wait_indirect_dma semaphore(%run_scoped3A_64 : memref<!tpu.dma_semaphore, #tpu.memory_space<semaphore_mem>>) src(%arg9 : memref<80x128xf32, #tpu.memory_space<vmem>>) dst(%dma_wait3A_76 : memref<10000x128xf32, #tpu.memory_space<vmem_shared>>)
        tpu.yield
      }) : () -> ()
    }
    %scan3A_12 = arith.constant 62 : i32
    %dma_wait3A = arith.constant 9920 : i32
    %dma_wait3A_13 = tpu.memref_slice %arg6[%dma_wait3A] : memref<10000xi32, #tpu.memory_space<vmem>> -> memref<80xi32, #tpu.memory_space<vmem>>
    %dma_wait3A_14 = arith.constant 0 : i32
    %dma_wait3A_15 = arith.constant 0 : i32
    %dma_wait3A_16 = tpu.memref_slice %arg2[%dma_wait3A_14, %dma_wait3A_15] : memref<10000x128xf32, #tpu.memory_space<hbm>> -> memref<10000x128xf32, #tpu.memory_space<hbm>>
    tpu.wait_indirect_dma semaphore(%arg11 : memref<!tpu.dma_semaphore, #tpu.memory_space<semaphore_mem>>) src(%dma_wait3A_16 : memref<10000x128xf32, #tpu.memory_space<hbm>>) dst(%arg8 : memref<80x128xf32, #tpu.memory_space<vmem>>)
    %run_scoped3A = arith.constant 124 : i32
    "tpu.region"() ({
      %run_scoped3A_25 = tpu.sem_alloc : memref<!tpu.dma_semaphore, #tpu.memory_space<semaphore_mem>>
      %dma_start3A_26 = arith.constant 0 : i32
      %dma_start3A_27 = tpu.memref_slice %arg7[%run_scoped3A, %dma_start3A_26] : memref<125x80xi32, #tpu.memory_space<vmem>> -> memref<1x80xi32, #tpu.memory_space<vmem>>
      %dma_start3A_28 = tpu.memref_squeeze %dma_start3A_27 : memref<1x80xi32, #tpu.memory_space<vmem>> -> memref<80xi32, #tpu.memory_space<vmem>>
      %dma_start3A_29 = arith.constant 0 : i32
      %dma_start3A_30 = arith.constant 0 : i32
      %dma_start3A_31 = tpu.memref_slice %arg10[%dma_start3A_29, %dma_start3A_30] : memref<10000x128xf32, #tpu.memory_space<vmem_shared>> -> memref<10000x128xf32, #tpu.memory_space<vmem_shared>>
      tpu.enqueue_indirect_dma source(%arg8 : memref<80x128xf32, #tpu.memory_space<vmem>>) target(%dma_start3A_31 : memref<10000x128xf32, #tpu.memory_space<vmem_shared>>) offsets(%dma_start3A_28 : memref<80xi32, #tpu.memory_space<vmem>>) semaphore(%run_scoped3A_25 : memref<!tpu.dma_semaphore, #tpu.memory_space<semaphore_mem>>) {add = true}
      %dma_wait3A_32 = arith.constant 0 : i32
      %dma_wait3A_33 = tpu.memref_slice %arg7[%run_scoped3A, %dma_wait3A_32] : memref<125x80xi32, #tpu.memory_space<vmem>> -> memref<1x80xi32, #tpu.memory_space<vmem>>
      %dma_wait3A_34 = tpu.memref_squeeze %dma_wait3A_33 : memref<1x80xi32, #tpu.memory_space<vmem>> -> memref<80xi32, #tpu.memory_space<vmem>>
      %dma_wait3A_35 = arith.constant 0 : i32
      %dma_wait3A_36 = arith.constant 0 : i32
      %dma_wait3A_37 = tpu.memref_slice %arg10[%dma_wait3A_35, %dma_wait3A_36] : memref<10000x128xf32, #tpu.memory_space<vmem_shared>> -> memref<10000x128xf32, #tpu.memory_space<vmem_shared>>
      tpu.wait_indirect_dma semaphore(%run_scoped3A_25 : memref<!tpu.dma_semaphore, #tpu.memory_space<semaphore_mem>>) src(%arg8 : memref<80x128xf32, #tpu.memory_space<vmem>>) dst(%dma_wait3A_37 : memref<10000x128xf32, #tpu.memory_space<vmem_shared>>)
      tpu.yield
    }) : () -> ()
    %barrier3A_17 = arith.constant 0 : index
    tpu.barrier barrier_id(%barrier3A_17)
    %mul3A_18 = arith.constant 624 : i32
    %mul3A_19 = arith.muli %arg1, %mul3A_18 : i32
    "tpu.region"() ({
      %run_scoped3A_25 = tpu.sem_alloc : memref<!tpu.dma_semaphore, #tpu.memory_space<semaphore_mem>>
      %dma_start3A_26 = arith.constant 0 : i32
      %dma_start3A_27 = tpu.memref_slice %arg5[%arg0, %mul3A_19, %dma_start3A_26] : memref<2x10000x128xf32, #tpu.memory_space<hbm>> -> memref<1x624x128xf32, #tpu.memory_space<hbm>>
      %dma_start3A_28 = tpu.memref_squeeze %dma_start3A_27 : memref<1x624x128xf32, #tpu.memory_space<hbm>> -> memref<624x128xf32, #tpu.memory_space<hbm>>
      %dma_start3A_29 = arith.constant 0 : i32
      %dma_start3A_30 = tpu.memref_slice %arg10[%mul3A_19, %dma_start3A_29] : memref<10000x128xf32, #tpu.memory_space<vmem_shared>> -> memref<624x128xf32, #tpu.memory_space<vmem_shared>>
      tpu.enqueue_dma source(%dma_start3A_30 : memref<624x128xf32, #tpu.memory_space<vmem_shared>>) target(%dma_start3A_28 : memref<624x128xf32, #tpu.memory_space<hbm>>) target_semaphore(%run_scoped3A_25 : memref<!tpu.dma_semaphore, #tpu.memory_space<semaphore_mem>>)
      %dma_wait3A_31 = arith.constant 0 : i32
      %dma_wait3A_32 = tpu.memref_slice %arg5[%arg0, %mul3A_19, %dma_wait3A_31] : memref<2x10000x128xf32, #tpu.memory_space<hbm>> -> memref<1x624x128xf32, #tpu.memory_space<hbm>>
      %dma_wait3A_33 = tpu.memref_squeeze %dma_wait3A_32 : memref<1x624x128xf32, #tpu.memory_space<hbm>> -> memref<624x128xf32, #tpu.memory_space<hbm>>
      %dma_wait3A_34 = arith.constant 0 : i32
      %dma_wait3A_35 = tpu.memref_slice %arg10[%mul3A_19, %dma_wait3A_34] : memref<10000x128xf32, #tpu.memory_space<vmem_shared>> -> memref<624x128xf32, #tpu.memory_space<vmem_shared>>
      tpu.wait_dma2 semaphore(%run_scoped3A_25 : memref<!tpu.dma_semaphore, #tpu.memory_space<semaphore_mem>>) src(%dma_wait3A_35 : memref<624x128xf32, #tpu.memory_space<vmem_shared>>) dst(%dma_wait3A_33 : memref<624x128xf32, #tpu.memory_space<hbm>>)
      tpu.yield
    }) : () -> ()
    %eq3A_20 = arith.constant 15 : i32
    %eq3A_21 = arith.cmpi eq, %arg1, %eq3A_20 : i32
    %convert_element_type3A_22 = arith.extui %eq3A_21 : i1 to i32
    %cond3A_23 = arith.constant 0 : i32
    %cond3A_24 = arith.cmpi ne, %convert_element_type3A_22, %cond3A_23 : i32
    scf.if %cond3A_24 {
      "tpu.region"() ({
        %run_scoped3A_25 = tpu.sem_alloc : memref<!tpu.dma_semaphore, #tpu.memory_space<semaphore_mem>>
        %dma_start3A_26 = arith.constant 9984 : i32
        %dma_start3A_27 = arith.constant 0 : i32
        %dma_start3A_28 = tpu.memref_slice %arg5[%arg0, %dma_start3A_26, %dma_start3A_27] : memref<2x10000x128xf32, #tpu.memory_space<hbm>> -> memref<1x16x128xf32, #tpu.memory_space<hbm>>
        %dma_start3A_29 = tpu.memref_squeeze %dma_start3A_28 : memref<1x16x128xf32, #tpu.memory_space<hbm>> -> memref<16x128xf32, #tpu.memory_space<hbm>>
        %dma_start3A_30 = arith.constant 9984 : i32
        %dma_start3A_31 = arith.constant 0 : i32
        %dma_start3A_32 = tpu.memref_slice %arg10[%dma_start3A_30, %dma_start3A_31] : memref<10000x128xf32, #tpu.memory_space<vmem_shared>> -> memref<16x128xf32, #tpu.memory_space<vmem_shared>>
        tpu.enqueue_dma source(%dma_start3A_32 : memref<16x128xf32, #tpu.memory_space<vmem_shared>>) target(%dma_start3A_29 : memref<16x128xf32, #tpu.memory_space<hbm>>) target_semaphore(%run_scoped3A_25 : memref<!tpu.dma_semaphore, #tpu.memory_space<semaphore_mem>>)
        %dma_wait3A_33 = arith.constant 9984 : i32
        %dma_wait3A_34 = arith.constant 0 : i32
        %dma_wait3A_35 = tpu.memref_slice %arg5[%arg0, %dma_wait3A_33, %dma_wait3A_34] : memref<2x10000x128xf32, #tpu.memory_space<hbm>> -> memref<1x16x128xf32, #tpu.memory_space<hbm>>
        %dma_wait3A_36 = tpu.memref_squeeze %dma_wait3A_35 : memref<1x16x128xf32, #tpu.memory_space<hbm>> -> memref<16x128xf32, #tpu.memory_space<hbm>>
        %dma_wait3A_37 = arith.constant 9984 : i32
        %dma_wait3A_38 = arith.constant 0 : i32
        %dma_wait3A_39 = tpu.memref_slice %arg10[%dma_wait3A_37, %dma_wait3A_38] : memref<10000x128xf32, #tpu.memory_space<vmem_shared>> -> memref<16x128xf32, #tpu.memory_space<vmem_shared>>
        tpu.wait_dma2 semaphore(%run_scoped3A_25 : memref<!tpu.dma_semaphore, #tpu.memory_space<semaphore_mem>>) src(%dma_wait3A_39 : memref<16x128xf32, #tpu.memory_space<vmem_shared>>) dst(%dma_wait3A_36 : memref<16x128xf32, #tpu.memory_space<hbm>>)
        tpu.yield
      }) : () -> ()
    } else {
    }
    return
  }
}

module attributes {stable_mosaic.version = 14 : i64} {
  func.func @_tc_mm1_body(%arg0: i32, %arg1: memref<2000x128xf32, #tpu.memory_space<vmem>>, %arg2: memref<128x128xf32, #tpu.memory_space<vmem>>, %arg3: memref<2000x128xf32, #tpu.memory_space<vmem>>) attributes {dimension_semantics = [#tpu.dimension_semantics<arbitrary>], iteration_bounds = array<i64: 5>, scalar_prefetch = 0 : i64, scratch_operands = 0 : i64, tpu.core_type = #tpu.core_type<tc>, window_params = [{transform_indices = @transform_0, window_bounds = array<i64: 2000, 128>}, {pipeline_mode = #tpu.pipeline_mode<synchronous>, transform_indices = @transform_1, window_bounds = array<i64: 128, 128>}, {transform_indices = @transform_2, window_bounds = array<i64: 2000, 128>}]} {
    %get3A = arith.constant 0 : index
    %get3A_0 = arith.constant 0 : index
    %get3A_1 = vector.load %arg1[%get3A, %get3A_0] : memref<2000x128xf32, #tpu.memory_space<vmem>>, vector<2000x128xf32>
    %get3A_2 = arith.constant 0 : index
    %get3A_3 = arith.constant 0 : index
    %get3A_4 = vector.load %arg2[%get3A_2, %get3A_3] : memref<128x128xf32, #tpu.memory_space<vmem>>, vector<128x128xf32>
    %dot_general3A = arith.constant dense<0.000000e+00> : vector<2000x128xf32>
    %dot_general3A_5 = tpu.matmul %get3A_1, %get3A_4, %dot_general3A {dimension_numbers = #tpu.dot_dimension_numbers<[1], [0], [0], [1], [0, 0, 1, 1], [], []>, transpose_lhs_hint = false} : vector<2000x128xf32>, vector<128x128xf32>, vector<2000x128xf32> -> vector<2000x128xf32>
    %swap3A = arith.constant 0 : index
    %swap3A_6 = arith.constant 0 : index
    %swap3A_7 = vector.load %arg3[%swap3A, %swap3A_6] : memref<2000x128xf32, #tpu.memory_space<vmem>>, vector<2000x128xf32>
    tpu.vector_store %arg3[%swap3A, %swap3A_6], %dot_general3A_5 {strides = array<i32>} : memref<2000x128xf32, #tpu.memory_space<vmem>>, vector<2000x128xf32>,
    return
  }
  func.func @transform_0(%arg0: i32) -> (i32, i32) {
    %c0_i32 = arith.constant 0 : i32
    %c0_i32_0 = arith.constant 0 : i32
    return %arg0, %c0_i32 : i32, i32
  }
  func.func @transform_1(%arg0: i32) -> (i32, i32) {
    %c0_i32 = arith.constant 0 : i32
    %c0_i32_0 = arith.constant 0 : i32
    %c0_i32_1 = arith.constant 0 : i32
    return %c0_i32, %c0_i32_0 : i32, i32
  }
  func.func @transform_2(%arg0: i32) -> (i32, i32) {
    %c0_i32 = arith.constant 0 : i32
    %c0_i32_0 = arith.constant 0 : i32
    return %arg0, %c0_i32 : i32, i32
  }
}

module attributes {stable_mosaic.version = 14 : i64} {
  func.func @_tc_pre_body(%arg0: i32, %arg1: memref<1x2000x32xf32, #tpu.memory_space<vmem>>, %arg2: memref<2000x128xf32, #tpu.memory_space<vmem>>, %arg3: memref<2000x1xf32, #tpu.memory_space<vmem>>, %arg4: memref<2000x128xf32, #tpu.memory_space<vmem>>) attributes {dimension_semantics = [#tpu.dimension_semantics<arbitrary>], iteration_bounds = array<i64: 5>, scalar_prefetch = 0 : i64, scratch_operands = 0 : i64, tpu.core_type = #tpu.core_type<tc>, window_params = [{transform_indices = @transform_0, window_bounds = array<i64: 1, 2000, 32>}, {transform_indices = @transform_1, window_bounds = array<i64: 2000, 128>}, {transform_indices = @transform_2, window_bounds = array<i64: 2000, 1>}, {transform_indices = @transform_3, window_bounds = array<i64: 2000, 128>}]} {
    %get3A = arith.constant 0 : index
    %get3A_0 = arith.constant 0 : index
    %get3A_1 = arith.constant 0 : index
    %get3A_2 = vector.load %arg1[%get3A, %get3A_0, %get3A_1] : memref<1x2000x32xf32, #tpu.memory_space<vmem>>, vector<1x2000x32xf32>
    %get3A_3 = vector.shape_cast %get3A_2 : vector<1x2000x32xf32> to vector<2000x32xf32>
    %reduce_sum3A = arith.constant dense<0.000000e+00> : vector<2000xf32>
    %reduce_sum3A_4 = vector.multi_reduction <add>, %get3A_3, %reduce_sum3A [1] : vector<2000x32xf32> to vector<2000xf32>
    %broadcast_in_dim3A = vector.shape_cast %reduce_sum3A_4 : vector<2000xf32> to vector<2000x1xf32>
    %add3A = arith.constant 1.000000e+00 : f32
    %add3A_5 = vector.broadcast %add3A : f32 to vector<2000x1xf32>
    %add3A_6 = arith.addf %broadcast_in_dim3A, %add3A_5 : vector<2000x1xf32>
    %max3A = arith.constant 1.000000e+00 : f32
    %max3A_7 = vector.broadcast %max3A : f32 to vector<2000x1xf32>
    %max3A_8 = arith.maximumf %add3A_6, %max3A_7 : vector<2000x1xf32>
    %rsqrt3A = math.rsqrt %max3A_8 : vector<2000x1xf32>
    %swap3A = arith.constant 0 : index
    %swap3A_9 = arith.constant 0 : index
    %swap3A_10 = vector.load %arg3[%swap3A, %swap3A_9] : memref<2000x1xf32, #tpu.memory_space<vmem>>, vector<2000x1xf32>
    tpu.vector_store %arg3[%swap3A, %swap3A_9], %rsqrt3A {strides = array<i32>} : memref<2000x1xf32, #tpu.memory_space<vmem>>, vector<2000x1xf32>,
    %get3A_11 = arith.constant 0 : index
    %get3A_12 = arith.constant 0 : index
    %get3A_13 = vector.load %arg2[%get3A_11, %get3A_12] : memref<2000x128xf32, #tpu.memory_space<vmem>>, vector<2000x128xf32>
    %mul3A = vector.broadcast %rsqrt3A : vector<2000x1xf32> to vector<2000x128xf32>
    %mul3A_14 = arith.mulf %get3A_13, %mul3A : vector<2000x128xf32>
    %swap3A_15 = arith.constant 0 : index
    %swap3A_16 = arith.constant 0 : index
    %swap3A_17 = vector.load %arg4[%swap3A_15, %swap3A_16] : memref<2000x128xf32, #tpu.memory_space<vmem>>, vector<2000x128xf32>
    tpu.vector_store %arg4[%swap3A_15, %swap3A_16], %mul3A_14 {strides = array<i32>} : memref<2000x128xf32, #tpu.memory_space<vmem>>, vector<2000x128xf32>,
    return
  }
  func.func @transform_0(%arg0: i32) -> (i32, i32, i32) {
    %c0_i32 = arith.constant 0 : i32
    %c0_i32_0 = arith.constant 0 : i32
    %c0_i32_1 = arith.constant 0 : i32
    return %arg0, %c0_i32, %c0_i32_0 : i32, i32, i32
  }
  func.func @transform_1(%arg0: i32) -> (i32, i32) {
    %c0_i32 = arith.constant 0 : i32
    %c0_i32_0 = arith.constant 0 : i32
    return %arg0, %c0_i32 : i32, i32
  }
  func.func @transform_2(%arg0: i32) -> (i32, i32) {
    %c0_i32 = arith.constant 0 : i32
    %c0_i32_0 = arith.constant 0 : i32
    return %arg0, %c0_i32 : i32, i32
  }
  func.func @transform_3(%arg0: i32) -> (i32, i32) {
    %c0_i32 = arith.constant 0 : i32
    %c0_i32_0 = arith.constant 0 : i32
    return %arg0, %c0_i32 : i32, i32
  }
}

module attributes {stable_mosaic.version = 14 : i64} {
  func.func @_tc_mid_body(%arg0: i32, %arg1: memref<2x2000x128xf32, #tpu.memory_space<vmem>>, %arg2: memref<2000x128xf32, #tpu.memory_space<vmem>>, %arg3: memref<2000x1xf32, #tpu.memory_space<vmem>>, %arg4: memref<1x128xf32, #tpu.memory_space<vmem>>, %arg5: memref<1x128xf32, #tpu.memory_space<vmem>>, %arg6: memref<1x128xf32, #tpu.memory_space<vmem>>, %arg7: memref<128x128xf32, #tpu.memory_space<vmem>>, %arg8: memref<2000x128xf32, #tpu.memory_space<vmem>>, %arg9: memref<2000x128xf32, #tpu.memory_space<vmem>>) attributes {dimension_semantics = [#tpu.dimension_semantics<arbitrary>], iteration_bounds = array<i64: 5>, scalar_prefetch = 0 : i64, scratch_operands = 0 : i64, tpu.core_type = #tpu.core_type<tc>, window_params = [{transform_indices = @transform_0, window_bounds = array<i64: 2, 2000, 128>}, {transform_indices = @transform_1, window_bounds = array<i64: 2000, 128>}, {transform_indices = @transform_2, window_bounds = array<i64: 2000, 1>}, {pipeline_mode = #tpu.pipeline_mode<synchronous>, transform_indices = @transform_3, window_bounds = array<i64: 1, 128>}, {pipeline_mode = #tpu.pipeline_mode<synchronous>, transform_indices = @transform_4, window_bounds = array<i64: 1, 128>}, {pipeline_mode = #tpu.pipeline_mode<synchronous>, transform_indices = @transform_5, window_bounds = array<i64: 1, 128>}, {pipeline_mode = #tpu.pipeline_mode<synchronous>, transform_indices = @transform_6, window_bounds = array<i64: 128, 128>}, {transform_indices = @transform_7, window_bounds = array<i64: 2000, 128>}, {transform_indices = @transform_8, window_bounds = array<i64: 2000, 128>}]} {
    %get3A = arith.constant 0 : index
    %get3A_0 = arith.constant 0 : index
    %get3A_1 = vector.load %arg3[%get3A, %get3A_0] : memref<2000x1xf32, #tpu.memory_space<vmem>>, vector<2000x1xf32>
    %get3A_2 = arith.constant 0 : index
    %get3A_3 = arith.constant 0 : index
    %get3A_4 = arith.constant 0 : index
    %get3A_5 = vector.load %arg1[%get3A_2, %get3A_3, %get3A_4] : memref<2x2000x128xf32, #tpu.memory_space<vmem>>, vector<1x2000x128xf32>
    %get3A_6 = vector.shape_cast %get3A_5 : vector<1x2000x128xf32> to vector<2000x128xf32>
    %get3A_7 = arith.constant 1 : index
    %get3A_8 = arith.constant 0 : index
    %get3A_9 = arith.constant 0 : index
    %get3A_10 = vector.load %arg1[%get3A_7, %get3A_8, %get3A_9] : memref<2x2000x128xf32, #tpu.memory_space<vmem>>, vector<1x2000x128xf32>
    %get3A_11 = vector.shape_cast %get3A_10 : vector<1x2000x128xf32> to vector<2000x128xf32>
    %add3A = arith.addf %get3A_6, %get3A_11 : vector<2000x128xf32>
    %get3A_12 = arith.constant 0 : index
    %get3A_13 = arith.constant 0 : index
    %get3A_14 = vector.load %arg2[%get3A_12, %get3A_13] : memref<2000x128xf32, #tpu.memory_space<vmem>>, vector<2000x128xf32>
    %sub3A = arith.subf %add3A, %get3A_14 : vector<2000x128xf32>
    %mul3A = vector.broadcast %get3A_1 : vector<2000x1xf32> to vector<2000x128xf32>
    %mul3A_15 = arith.mulf %sub3A, %mul3A : vector<2000x128xf32>
    %get3A_16 = arith.constant 0 : index
    %get3A_17 = arith.constant 0 : index
    %get3A_18 = vector.load %arg4[%get3A_16, %get3A_17] : memref<1x128xf32, #tpu.memory_space<vmem>>, vector<1x128xf32>
    %add3A_19 = vector.broadcast %get3A_18 : vector<1x128xf32> to vector<2000x128xf32>
    %add3A_20 = arith.addf %mul3A_15, %add3A_19 : vector<2000x128xf32>
    %get3A_21 = arith.constant 0 : index
    %get3A_22 = arith.constant 0 : index
    %get3A_23 = vector.load %arg5[%get3A_21, %get3A_22] : memref<1x128xf32, #tpu.memory_space<vmem>>, vector<1x128xf32>
    %get3A_24 = arith.constant 0 : index
    %get3A_25 = arith.constant 0 : index
    %get3A_26 = vector.load %arg6[%get3A_24, %get3A_25] : memref<1x128xf32, #tpu.memory_space<vmem>>, vector<1x128xf32>
    %reduce_sum3A = arith.constant dense<0.000000e+00> : vector<2000xf32>
    %reduce_sum3A_27 = vector.multi_reduction <add>, %add3A_20, %reduce_sum3A [1] : vector<2000x128xf32> to vector<2000xf32>
    %broadcast_in_dim3A = vector.shape_cast %reduce_sum3A_27 : vector<2000xf32> to vector<2000x1xf32>
    %div3A = arith.constant 1.280000e+02 : f32
    %div3A_28 = vector.broadcast %div3A : f32 to vector<2000x1xf32>
    %div3A_29 = arith.divf %broadcast_in_dim3A, %div3A_28 : vector<2000x1xf32>
    %sub3A_30 = vector.broadcast %div3A_29 : vector<2000x1xf32> to vector<2000x128xf32>
    %sub3A_31 = arith.subf %add3A_20, %sub3A_30 : vector<2000x128xf32>
    %integer_pow3A = arith.mulf %sub3A_31, %sub3A_31 : vector<2000x128xf32>
    %reduce_sum3A_32 = arith.constant dense<0.000000e+00> : vector<2000xf32>
    %reduce_sum3A_33 = vector.multi_reduction <add>, %integer_pow3A, %reduce_sum3A_32 [1] : vector<2000x128xf32> to vector<2000xf32>
    %broadcast_in_dim3A_34 = vector.shape_cast %reduce_sum3A_33 : vector<2000xf32> to vector<2000x1xf32>
    %div3A_35 = arith.constant 1.280000e+02 : f32
    %div3A_36 = vector.broadcast %div3A_35 : f32 to vector<2000x1xf32>
    %div3A_37 = arith.divf %broadcast_in_dim3A_34, %div3A_36 : vector<2000x1xf32>
    %sub3A_38 = vector.broadcast %div3A_29 : vector<2000x1xf32> to vector<2000x128xf32>
    %sub3A_39 = arith.subf %add3A_20, %sub3A_38 : vector<2000x128xf32>
    %add3A_40 = arith.constant 9.99999974E-6 : f32
    %add3A_41 = vector.broadcast %add3A_40 : f32 to vector<2000x1xf32>
    %add3A_42 = arith.addf %div3A_37, %add3A_41 : vector<2000x1xf32>
    %rsqrt3A = math.rsqrt %add3A_42 : vector<2000x1xf32>
    %mul3A_43 = vector.broadcast %rsqrt3A : vector<2000x1xf32> to vector<2000x128xf32>
    %mul3A_44 = arith.mulf %sub3A_39, %mul3A_43 : vector<2000x128xf32>
    %mul3A_45 = vector.broadcast %get3A_23 : vector<1x128xf32> to vector<2000x128xf32>
    %mul3A_46 = arith.mulf %mul3A_44, %mul3A_45 : vector<2000x128xf32>
    %add3A_47 = vector.broadcast %get3A_26 : vector<1x128xf32> to vector<2000x128xf32>
    %add3A_48 = arith.addf %mul3A_46, %add3A_47 : vector<2000x128xf32>
    %max3A = arith.constant 0.000000e+00 : f32
    %max3A_49 = vector.broadcast %max3A : f32 to vector<2000x128xf32>
    %max3A_50 = arith.maximumf %add3A_48, %max3A_49 : vector<2000x128xf32>
    %swap3A = arith.constant 0 : index
    %swap3A_51 = arith.constant 0 : index
    %swap3A_52 = vector.load %arg8[%swap3A, %swap3A_51] : memref<2000x128xf32, #tpu.memory_space<vmem>>, vector<2000x128xf32>
    tpu.vector_store %arg8[%swap3A, %swap3A_51], %max3A_50 {strides = array<i32>} : memref<2000x128xf32, #tpu.memory_space<vmem>>, vector<2000x128xf32>,
    %get3A_53 = arith.constant 0 : index
    %get3A_54 = arith.constant 0 : index
    %get3A_55 = vector.load %arg7[%get3A_53, %get3A_54] : memref<128x128xf32, #tpu.memory_space<vmem>>, vector<128x128xf32>
    %dot_general3A = arith.constant dense<0.000000e+00> : vector<2000x128xf32>
    %dot_general3A_56 = tpu.matmul %max3A_50, %get3A_55, %dot_general3A {dimension_numbers = #tpu.dot_dimension_numbers<[1], [0], [0], [1], [0, 0, 1, 1], [], []>, transpose_lhs_hint = false} : vector<2000x128xf32>, vector<128x128xf32>, vector<2000x128xf32> -> vector<2000x128xf32>
    %mul3A_57 = vector.broadcast %get3A_1 : vector<2000x1xf32> to vector<2000x128xf32>
    %mul3A_58 = arith.mulf %dot_general3A_56, %mul3A_57 : vector<2000x128xf32>
    %swap3A_59 = arith.constant 0 : index
    %swap3A_60 = arith.constant 0 : index
    %swap3A_61 = vector.load %arg9[%swap3A_59, %swap3A_60] : memref<2000x128xf32, #tpu.memory_space<vmem>>, vector<2000x128xf32>
    tpu.vector_store %arg9[%swap3A_59, %swap3A_60], %mul3A_58 {strides = array<i32>} : memref<2000x128xf32, #tpu.memory_space<vmem>>, vector<2000x128xf32>,
    return
  }
  func.func @transform_0(%arg0: i32) -> (i32, i32, i32) {
    %c0_i32 = arith.constant 0 : i32
    %c0_i32_0 = arith.constant 0 : i32
    %c0_i32_1 = arith.constant 0 : i32
    return %c0_i32, %arg0, %c0_i32_0 : i32, i32, i32
  }
  func.func @transform_1(%arg0: i32) -> (i32, i32) {
    %c0_i32 = arith.constant 0 : i32
    %c0_i32_0 = arith.constant 0 : i32
    return %arg0, %c0_i32 : i32, i32
  }
  func.func @transform_2(%arg0: i32) -> (i32, i32) {
    %c0_i32 = arith.constant 0 : i32
    %c0_i32_0 = arith.constant 0 : i32
    return %arg0, %c0_i32 : i32, i32
  }
  func.func @transform_3(%arg0: i32) -> (i32, i32) {
    %c0_i32 = arith.constant 0 : i32
    %c0_i32_0 = arith.constant 0 : i32
    %c0_i32_1 = arith.constant 0 : i32
    return %c0_i32, %c0_i32_0 : i32, i32
  }
  func.func @transform_4(%arg0: i32) -> (i32, i32) {
    %c0_i32 = arith.constant 0 : i32
    %c0_i32_0 = arith.constant 0 : i32
    %c0_i32_1 = arith.constant 0 : i32
    return %c0_i32, %c0_i32_0 : i32, i32
  }
  func.func @transform_5(%arg0: i32) -> (i32, i32) {
    %c0_i32 = arith.constant 0 : i32
    %c0_i32_0 = arith.constant 0 : i32
    %c0_i32_1 = arith.constant 0 : i32
    return %c0_i32, %c0_i32_0 : i32, i32
  }
  func.func @transform_6(%arg0: i32) -> (i32, i32) {
    %c0_i32 = arith.constant 0 : i32
    %c0_i32_0 = arith.constant 0 : i32
    %c0_i32_1 = arith.constant 0 : i32
    return %c0_i32, %c0_i32_0 : i32, i32
  }
  func.func @transform_7(%arg0: i32) -> (i32, i32) {
    %c0_i32 = arith.constant 0 : i32
    %c0_i32_0 = arith.constant 0 : i32
    return %arg0, %c0_i32 : i32, i32
  }
  func.func @transform_8(%arg0: i32) -> (i32, i32) {
    %c0_i32 = arith.constant 0 : i32
    %c0_i32_0 = arith.constant 0 : i32
    return %arg0, %c0_i32 : i32, i32
  }
}

module attributes {stable_mosaic.version = 14 : i64} {
  func.func @_tc_head_body(%arg0: i32, %arg1: memref<2x2000x128xf32, #tpu.memory_space<vmem>>, %arg2: memref<2000x128xf32, #tpu.memory_space<vmem>>, %arg3: memref<2000x1xf32, #tpu.memory_space<vmem>>, %arg4: memref<1x128xf32, #tpu.memory_space<vmem>>, %arg5: memref<1x128xf32, #tpu.memory_space<vmem>>, %arg6: memref<1x128xf32, #tpu.memory_space<vmem>>, %arg7: memref<2000x128xf32, #tpu.memory_space<vmem>>, %arg8: memref<128x128xf32, #tpu.memory_space<vmem>>, %arg9: memref<1x128xf32, #tpu.memory_space<vmem>>, %arg10: memref<1x128xf32, #tpu.memory_space<vmem>>, %arg11: memref<1x128xf32, #tpu.memory_space<vmem>>, %arg12: memref<128x8xf32, #tpu.memory_space<vmem>>, %arg13: memref<1x8xf32, #tpu.memory_space<vmem>>, %arg14: memref<128x128xf32, #tpu.memory_space<vmem>>, %arg15: memref<1x128xf32, #tpu.memory_space<vmem>>, %arg16: memref<1x128xf32, #tpu.memory_space<vmem>>, %arg17: memref<1x128xf32, #tpu.memory_space<vmem>>, %arg18: memref<128x1xf32, #tpu.memory_space<vmem>>, %arg19: memref<1x1xf32, #tpu.memory_space<vmem>>, %arg20: memref<2000x8xf32, #tpu.memory_space<vmem>>, %arg21: memref<2000x1xf32, #tpu.memory_space<vmem>>) attributes {dimension_semantics = [#tpu.dimension_semantics<arbitrary>], iteration_bounds = array<i64: 5>, scalar_prefetch = 0 : i64, scratch_operands = 0 : i64, tpu.core_type = #tpu.core_type<tc>, window_params = [{transform_indices = @transform_0, window_bounds = array<i64: 2, 2000, 128>}, {transform_indices = @transform_1, window_bounds = array<i64: 2000, 128>}, {transform_indices = @transform_2, window_bounds = array<i64: 2000, 1>}, {pipeline_mode = #tpu.pipeline_mode<synchronous>, transform_indices = @transform_3, window_bounds = array<i64: 1, 128>}, {pipeline_mode = #tpu.pipeline_mode<synchronous>, transform_indices = @transform_4, window_bounds = array<i64: 1, 128>}, {pipeline_mode = #tpu.pipeline_mode<synchronous>, transform_indices = @transform_5, window_bounds = array<i64: 1, 128>}, {transform_indices = @transform_6, window_bounds = array<i64: 2000, 128>}, {pipeline_mode = #tpu.pipeline_mode<synchronous>, transform_indices = @transform_7, window_bounds = array<i64: 128, 128>}, {pipeline_mode = #tpu.pipeline_mode<synchronous>, transform_indices = @transform_8, window_bounds = array<i64: 1, 128>}, {pipeline_mode = #tpu.pipeline_mode<synchronous>, transform_indices = @transform_9, window_bounds = array<i64: 1, 128>}, {pipeline_mode = #tpu.pipeline_mode<synchronous>, transform_indices = @transform_10, window_bounds = array<i64: 1, 128>}, {pipeline_mode = #tpu.pipeline_mode<synchronous>, transform_indices = @transform_11, window_bounds = array<i64: 128, 8>}, {pipeline_mode = #tpu.pipeline_mode<synchronous>, transform_indices = @transform_12, window_bounds = array<i64: 1, 8>}, {pipeline_mode = #tpu.pipeline_mode<synchronous>, transform_indices = @transform_13, window_bounds = array<i64: 128, 128>}, {pipeline_mode = #tpu.pipeline_mode<synchronous>, transform_indices = @transform_14, window_bounds = array<i64: 1, 128>}, {pipeline_mode = #tpu.pipeline_mode<synchronous>, transform_indices = @transform_15, window_bounds = array<i64: 1, 128>}, {pipeline_mode = #tpu.pipeline_mode<synchronous>, transform_indices = @transform_16, window_bounds = array<i64: 1, 128>}, {pipeline_mode = #tpu.pipeline_mode<synchronous>, transform_indices = @transform_17, window_bounds = array<i64: 128, 1>}, {pipeline_mode = #tpu.pipeline_mode<synchronous>, transform_indices = @transform_18, window_bounds = array<i64: 1, 1>}, {transform_indices = @transform_19, window_bounds = array<i64: 2000, 8>}, {transform_indices = @transform_20, window_bounds = array<i64: 2000, 1>}]} {
    %get3A = arith.constant 0 : index
    %get3A_0 = arith.constant 0 : index
    %get3A_1 = vector.load %arg3[%get3A, %get3A_0] : memref<2000x1xf32, #tpu.memory_space<vmem>>, vector<2000x1xf32>
    %get3A_2 = arith.constant 0 : index
    %get3A_3 = arith.constant 0 : index
    %get3A_4 = arith.constant 0 : index
    %get3A_5 = vector.load %arg1[%get3A_2, %get3A_3, %get3A_4] : memref<2x2000x128xf32, #tpu.memory_space<vmem>>, vector<1x2000x128xf32>
    %get3A_6 = vector.shape_cast %get3A_5 : vector<1x2000x128xf32> to vector<2000x128xf32>
    %get3A_7 = arith.constant 1 : index
    %get3A_8 = arith.constant 0 : index
    %get3A_9 = arith.constant 0 : index
    %get3A_10 = vector.load %arg1[%get3A_7, %get3A_8, %get3A_9] : memref<2x2000x128xf32, #tpu.memory_space<vmem>>, vector<1x2000x128xf32>
    %get3A_11 = vector.shape_cast %get3A_10 : vector<1x2000x128xf32> to vector<2000x128xf32>
    %add3A = arith.addf %get3A_6, %get3A_11 : vector<2000x128xf32>
    %get3A_12 = arith.constant 0 : index
    %get3A_13 = arith.constant 0 : index
    %get3A_14 = vector.load %arg2[%get3A_12, %get3A_13] : memref<2000x128xf32, #tpu.memory_space<vmem>>, vector<2000x128xf32>
    %sub3A = arith.subf %add3A, %get3A_14 : vector<2000x128xf32>
    %mul3A = vector.broadcast %get3A_1 : vector<2000x1xf32> to vector<2000x128xf32>
    %mul3A_15 = arith.mulf %sub3A, %mul3A : vector<2000x128xf32>
    %get3A_16 = arith.constant 0 : index
    %get3A_17 = arith.constant 0 : index
    %get3A_18 = vector.load %arg4[%get3A_16, %get3A_17] : memref<1x128xf32, #tpu.memory_space<vmem>>, vector<1x128xf32>
    %add3A_19 = vector.broadcast %get3A_18 : vector<1x128xf32> to vector<2000x128xf32>
    %add3A_20 = arith.addf %mul3A_15, %add3A_19 : vector<2000x128xf32>
    %get3A_21 = arith.constant 0 : index
    %get3A_22 = arith.constant 0 : index
    %get3A_23 = vector.load %arg5[%get3A_21, %get3A_22] : memref<1x128xf32, #tpu.memory_space<vmem>>, vector<1x128xf32>
    %get3A_24 = arith.constant 0 : index
    %get3A_25 = arith.constant 0 : index
    %get3A_26 = vector.load %arg6[%get3A_24, %get3A_25] : memref<1x128xf32, #tpu.memory_space<vmem>>, vector<1x128xf32>
    %reduce_sum3A = arith.constant dense<0.000000e+00> : vector<2000xf32>
    %reduce_sum3A_27 = vector.multi_reduction <add>, %add3A_20, %reduce_sum3A [1] : vector<2000x128xf32> to vector<2000xf32>
    %broadcast_in_dim3A = vector.shape_cast %reduce_sum3A_27 : vector<2000xf32> to vector<2000x1xf32>
    %div3A = arith.constant 1.280000e+02 : f32
    %div3A_28 = vector.broadcast %div3A : f32 to vector<2000x1xf32>
    %div3A_29 = arith.divf %broadcast_in_dim3A, %div3A_28 : vector<2000x1xf32>
    %sub3A_30 = vector.broadcast %div3A_29 : vector<2000x1xf32> to vector<2000x128xf32>
    %sub3A_31 = arith.subf %add3A_20, %sub3A_30 : vector<2000x128xf32>
    %integer_pow3A = arith.mulf %sub3A_31, %sub3A_31 : vector<2000x128xf32>
    %reduce_sum3A_32 = arith.constant dense<0.000000e+00> : vector<2000xf32>
    %reduce_sum3A_33 = vector.multi_reduction <add>, %integer_pow3A, %reduce_sum3A_32 [1] : vector<2000x128xf32> to vector<2000xf32>
    %broadcast_in_dim3A_34 = vector.shape_cast %reduce_sum3A_33 : vector<2000xf32> to vector<2000x1xf32>
    %div3A_35 = arith.constant 1.280000e+02 : f32
    %div3A_36 = vector.broadcast %div3A_35 : f32 to vector<2000x1xf32>
    %div3A_37 = arith.divf %broadcast_in_dim3A_34, %div3A_36 : vector<2000x1xf32>
    %sub3A_38 = vector.broadcast %div3A_29 : vector<2000x1xf32> to vector<2000x128xf32>
    %sub3A_39 = arith.subf %add3A_20, %sub3A_38 : vector<2000x128xf32>
    %add3A_40 = arith.constant 9.99999974E-6 : f32
    %add3A_41 = vector.broadcast %add3A_40 : f32 to vector<2000x1xf32>
    %add3A_42 = arith.addf %div3A_37, %add3A_41 : vector<2000x1xf32>
    %rsqrt3A = math.rsqrt %add3A_42 : vector<2000x1xf32>
    %mul3A_43 = vector.broadcast %rsqrt3A : vector<2000x1xf32> to vector<2000x128xf32>
    %mul3A_44 = arith.mulf %sub3A_39, %mul3A_43 : vector<2000x128xf32>
    %mul3A_45 = vector.broadcast %get3A_23 : vector<1x128xf32> to vector<2000x128xf32>
    %mul3A_46 = arith.mulf %mul3A_44, %mul3A_45 : vector<2000x128xf32>
    %add3A_47 = vector.broadcast %get3A_26 : vector<1x128xf32> to vector<2000x128xf32>
    %add3A_48 = arith.addf %mul3A_46, %add3A_47 : vector<2000x128xf32>
    %max3A = arith.constant 0.000000e+00 : f32
    %max3A_49 = vector.broadcast %max3A : f32 to vector<2000x128xf32>
    %max3A_50 = arith.maximumf %add3A_48, %max3A_49 : vector<2000x128xf32>
    %get3A_51 = arith.constant 0 : index
    %get3A_52 = arith.constant 0 : index
    %get3A_53 = vector.load %arg7[%get3A_51, %get3A_52] : memref<2000x128xf32, #tpu.memory_space<vmem>>, vector<2000x128xf32>
    %add3A_54 = arith.addf %max3A_50, %get3A_53 : vector<2000x128xf32>
    %get3A_55 = arith.constant 0 : index
    %get3A_56 = arith.constant 0 : index
    %get3A_57 = vector.load %arg8[%get3A_55, %get3A_56] : memref<128x128xf32, #tpu.memory_space<vmem>>, vector<128x128xf32>
    %dot_general3A = arith.constant dense<0.000000e+00> : vector<2000x128xf32>
    %dot_general3A_58 = tpu.matmul %add3A_54, %get3A_57, %dot_general3A {dimension_numbers = #tpu.dot_dimension_numbers<[1], [0], [0], [1], [0, 0, 1, 1], [], []>, transpose_lhs_hint = false} : vector<2000x128xf32>, vector<128x128xf32>, vector<2000x128xf32> -> vector<2000x128xf32>
    %get3A_59 = arith.constant 0 : index
    %get3A_60 = arith.constant 0 : index
    %get3A_61 = vector.load %arg9[%get3A_59, %get3A_60] : memref<1x128xf32, #tpu.memory_space<vmem>>, vector<1x128xf32>
    %add3A_62 = vector.broadcast %get3A_61 : vector<1x128xf32> to vector<2000x128xf32>
    %add3A_63 = arith.addf %dot_general3A_58, %add3A_62 : vector<2000x128xf32>
    %max3A_64 = arith.constant 0.000000e+00 : f32
    %max3A_65 = vector.broadcast %max3A_64 : f32 to vector<2000x128xf32>
    %max3A_66 = arith.maximumf %add3A_63, %max3A_65 : vector<2000x128xf32>
    %get3A_67 = arith.constant 0 : index
    %get3A_68 = arith.constant 0 : index
    %get3A_69 = vector.load %arg10[%get3A_67, %get3A_68] : memref<1x128xf32, #tpu.memory_space<vmem>>, vector<1x128xf32>
    %get3A_70 = arith.constant 0 : index
    %get3A_71 = arith.constant 0 : index
    %get3A_72 = vector.load %arg11[%get3A_70, %get3A_71] : memref<1x128xf32, #tpu.memory_space<vmem>>, vector<1x128xf32>
    %reduce_sum3A_73 = arith.constant dense<0.000000e+00> : vector<2000xf32>
    %reduce_sum3A_74 = vector.multi_reduction <add>, %max3A_66, %reduce_sum3A_73 [1] : vector<2000x128xf32> to vector<2000xf32>
    %broadcast_in_dim3A_75 = vector.shape_cast %reduce_sum3A_74 : vector<2000xf32> to vector<2000x1xf32>
    %div3A_76 = arith.constant 1.280000e+02 : f32
    %div3A_77 = vector.broadcast %div3A_76 : f32 to vector<2000x1xf32>
    %div3A_78 = arith.divf %broadcast_in_dim3A_75, %div3A_77 : vector<2000x1xf32>
    %sub3A_79 = vector.broadcast %div3A_78 : vector<2000x1xf32> to vector<2000x128xf32>
    %sub3A_80 = arith.subf %max3A_66, %sub3A_79 : vector<2000x128xf32>
    %integer_pow3A_81 = arith.mulf %sub3A_80, %sub3A_80 : vector<2000x128xf32>
    %reduce_sum3A_82 = arith.constant dense<0.000000e+00> : vector<2000xf32>
    %reduce_sum3A_83 = vector.multi_reduction <add>, %integer_pow3A_81, %reduce_sum3A_82 [1] : vector<2000x128xf32> to vector<2000xf32>
    %broadcast_in_dim3A_84 = vector.shape_cast %reduce_sum3A_83 : vector<2000xf32> to vector<2000x1xf32>
    %div3A_85 = arith.constant 1.280000e+02 : f32
    %div3A_86 = vector.broadcast %div3A_85 : f32 to vector<2000x1xf32>
    %div3A_87 = arith.divf %broadcast_in_dim3A_84, %div3A_86 : vector<2000x1xf32>
    %sub3A_88 = vector.broadcast %div3A_78 : vector<2000x1xf32> to vector<2000x128xf32>
    %sub3A_89 = arith.subf %max3A_66, %sub3A_88 : vector<2000x128xf32>
    %add3A_90 = arith.constant 9.99999974E-6 : f32
    %add3A_91 = vector.broadcast %add3A_90 : f32 to vector<2000x1xf32>
    %add3A_92 = arith.addf %div3A_87, %add3A_91 : vector<2000x1xf32>
    %rsqrt3A_93 = math.rsqrt %add3A_92 : vector<2000x1xf32>
    %mul3A_94 = vector.broadcast %rsqrt3A_93 : vector<2000x1xf32> to vector<2000x128xf32>
    %mul3A_95 = arith.mulf %sub3A_89, %mul3A_94 : vector<2000x128xf32>
    %mul3A_96 = vector.broadcast %get3A_69 : vector<1x128xf32> to vector<2000x128xf32>
    %mul3A_97 = arith.mulf %mul3A_95, %mul3A_96 : vector<2000x128xf32>
    %add3A_98 = vector.broadcast %get3A_72 : vector<1x128xf32> to vector<2000x128xf32>
    %add3A_99 = arith.addf %mul3A_97, %add3A_98 : vector<2000x128xf32>
    %get3A_100 = arith.constant 0 : index
    %get3A_101 = arith.constant 0 : index
    %get3A_102 = vector.load %arg12[%get3A_100, %get3A_101] : memref<128x8xf32, #tpu.memory_space<vmem>>, vector<128x8xf32>
    %dot_general3A_103 = arith.constant dense<0.000000e+00> : vector<2000x8xf32>
    %dot_general3A_104 = tpu.matmul %add3A_99, %get3A_102, %dot_general3A_103 {dimension_numbers = #tpu.dot_dimension_numbers<[1], [0], [0], [1], [0, 0, 1, 1], [], []>, transpose_lhs_hint = false} : vector<2000x128xf32>, vector<128x8xf32>, vector<2000x8xf32> -> vector<2000x8xf32>
    %get3A_105 = arith.constant 0 : index
    %get3A_106 = arith.constant 0 : index
    %get3A_107 = vector.load %arg13[%get3A_105, %get3A_106] : memref<1x8xf32, #tpu.memory_space<vmem>>, vector<1x8xf32>
    %add3A_108 = vector.broadcast %get3A_107 : vector<1x8xf32> to vector<2000x8xf32>
    %add3A_109 = arith.addf %dot_general3A_104, %add3A_108 : vector<2000x8xf32>
    %reduce_max3A = arith.constant dense<0xFF800000> : vector<2000xf32>
    %reduce_max3A_110 = vector.multi_reduction <maximumf>, %add3A_109, %reduce_max3A [1] : vector<2000x8xf32> to vector<2000xf32>
    %broadcast_in_dim3A_111 = vector.shape_cast %reduce_max3A_110 : vector<2000xf32> to vector<2000x1xf32>
    %sub3A_112 = vector.broadcast %broadcast_in_dim3A_111 : vector<2000x1xf32> to vector<2000x8xf32>
    %sub3A_113 = arith.subf %add3A_109, %sub3A_112 : vector<2000x8xf32>
    %exp3A = math.exp %sub3A_113 : vector<2000x8xf32>
    %reduce_sum3A_114 = arith.constant dense<0.000000e+00> : vector<2000xf32>
    %reduce_sum3A_115 = vector.multi_reduction <add>, %exp3A, %reduce_sum3A_114 [1] : vector<2000x8xf32> to vector<2000xf32>
    %broadcast_in_dim3A_116 = vector.shape_cast %reduce_sum3A_115 : vector<2000xf32> to vector<2000x1xf32>
    %div3A_117 = vector.broadcast %broadcast_in_dim3A_116 : vector<2000x1xf32> to vector<2000x8xf32>
    %div3A_118 = arith.divf %exp3A, %div3A_117 : vector<2000x8xf32>
    %swap3A = arith.constant 0 : index
    %swap3A_119 = arith.constant 0 : index
    %swap3A_120 = vector.load %arg20[%swap3A, %swap3A_119] : memref<2000x8xf32, #tpu.memory_space<vmem>>, vector<2000x8xf32>
    tpu.vector_store %arg20[%swap3A, %swap3A_119], %div3A_118 {strides = array<i32>} : memref<2000x8xf32, #tpu.memory_space<vmem>>, vector<2000x8xf32>,
    %get3A_121 = arith.constant 0 : index
    %get3A_122 = arith.constant 0 : index
    %get3A_123 = vector.load %arg14[%get3A_121, %get3A_122] : memref<128x128xf32, #tpu.memory_space<vmem>>, vector<128x128xf32>
    %dot_general3A_124 = arith.constant dense<0.000000e+00> : vector<2000x128xf32>
    %dot_general3A_125 = tpu.matmul %add3A_54, %get3A_123, %dot_general3A_124 {dimension_numbers = #tpu.dot_dimension_numbers<[1], [0], [0], [1], [0, 0, 1, 1], [], []>, transpose_lhs_hint = false} : vector<2000x128xf32>, vector<128x128xf32>, vector<2000x128xf32> -> vector<2000x128xf32>
    %get3A_126 = arith.constant 0 : index
    %get3A_127 = arith.constant 0 : index
    %get3A_128 = vector.load %arg15[%get3A_126, %get3A_127] : memref<1x128xf32, #tpu.memory_space<vmem>>, vector<1x128xf32>
    %add3A_129 = vector.broadcast %get3A_128 : vector<1x128xf32> to vector<2000x128xf32>
    %add3A_130 = arith.addf %dot_general3A_125, %add3A_129 : vector<2000x128xf32>
    %max3A_131 = arith.constant 0.000000e+00 : f32
    %max3A_132 = vector.broadcast %max3A_131 : f32 to vector<2000x128xf32>
    %max3A_133 = arith.maximumf %add3A_130, %max3A_132 : vector<2000x128xf32>
    %get3A_134 = arith.constant 0 : index
    %get3A_135 = arith.constant 0 : index
    %get3A_136 = vector.load %arg16[%get3A_134, %get3A_135] : memref<1x128xf32, #tpu.memory_space<vmem>>, vector<1x128xf32>
    %get3A_137 = arith.constant 0 : index
    %get3A_138 = arith.constant 0 : index
    %get3A_139 = vector.load %arg17[%get3A_137, %get3A_138] : memref<1x128xf32, #tpu.memory_space<vmem>>, vector<1x128xf32>
    %reduce_sum3A_140 = arith.constant dense<0.000000e+00> : vector<2000xf32>
    %reduce_sum3A_141 = vector.multi_reduction <add>, %max3A_133, %reduce_sum3A_140 [1] : vector<2000x128xf32> to vector<2000xf32>
    %broadcast_in_dim3A_142 = vector.shape_cast %reduce_sum3A_141 : vector<2000xf32> to vector<2000x1xf32>
    %div3A_143 = arith.constant 1.280000e+02 : f32
    %div3A_144 = vector.broadcast %div3A_143 : f32 to vector<2000x1xf32>
    %div3A_145 = arith.divf %broadcast_in_dim3A_142, %div3A_144 : vector<2000x1xf32>
    %sub3A_146 = vector.broadcast %div3A_145 : vector<2000x1xf32> to vector<2000x128xf32>
    %sub3A_147 = arith.subf %max3A_133, %sub3A_146 : vector<2000x128xf32>
    %integer_pow3A_148 = arith.mulf %sub3A_147, %sub3A_147 : vector<2000x128xf32>
    %reduce_sum3A_149 = arith.constant dense<0.000000e+00> : vector<2000xf32>
    %reduce_sum3A_150 = vector.multi_reduction <add>, %integer_pow3A_148, %reduce_sum3A_149 [1] : vector<2000x128xf32> to vector<2000xf32>
    %broadcast_in_dim3A_151 = vector.shape_cast %reduce_sum3A_150 : vector<2000xf32> to vector<2000x1xf32>
    %div3A_152 = arith.constant 1.280000e+02 : f32
    %div3A_153 = vector.broadcast %div3A_152 : f32 to vector<2000x1xf32>
    %div3A_154 = arith.divf %broadcast_in_dim3A_151, %div3A_153 : vector<2000x1xf32>
    %sub3A_155 = vector.broadcast %div3A_145 : vector<2000x1xf32> to vector<2000x128xf32>
    %sub3A_156 = arith.subf %max3A_133, %sub3A_155 : vector<2000x128xf32>
    %add3A_157 = arith.constant 9.99999974E-6 : f32
    %add3A_158 = vector.broadcast %add3A_157 : f32 to vector<2000x1xf32>
    %add3A_159 = arith.addf %div3A_154, %add3A_158 : vector<2000x1xf32>
    %rsqrt3A_160 = math.rsqrt %add3A_159 : vector<2000x1xf32>
    %mul3A_161 = vector.broadcast %rsqrt3A_160 : vector<2000x1xf32> to vector<2000x128xf32>
    %mul3A_162 = arith.mulf %sub3A_156, %mul3A_161 : vector<2000x128xf32>
    %mul3A_163 = vector.broadcast %get3A_136 : vector<1x128xf32> to vector<2000x128xf32>
    %mul3A_164 = arith.mulf %mul3A_162, %mul3A_163 : vector<2000x128xf32>
    %add3A_165 = vector.broadcast %get3A_139 : vector<1x128xf32> to vector<2000x128xf32>
    %add3A_166 = arith.addf %mul3A_164, %add3A_165 : vector<2000x128xf32>
    %get3A_167 = arith.constant 0 : index
    %get3A_168 = arith.constant 0 : index
    %get3A_169 = vector.load %arg18[%get3A_167, %get3A_168] : memref<128x1xf32, #tpu.memory_space<vmem>>, vector<128x1xf32>
    %dot_general3A_170 = arith.constant dense<0.000000e+00> : vector<2000x1xf32>
    %dot_general3A_171 = tpu.matmul %add3A_166, %get3A_169, %dot_general3A_170 {dimension_numbers = #tpu.dot_dimension_numbers<[1], [0], [0], [1], [0, 0, 1, 1], [], []>, transpose_lhs_hint = false} : vector<2000x128xf32>, vector<128x1xf32>, vector<2000x1xf32> -> vector<2000x1xf32>
    %get3A_172 = arith.constant 0 : index
    %get3A_173 = arith.constant 0 : index
    %get3A_174 = vector.load %arg19[%get3A_172, %get3A_173] : memref<1x1xf32, #tpu.memory_space<vmem>>, vector<1x1xf32>
    %add3A_175 = vector.broadcast %get3A_174 : vector<1x1xf32> to vector<2000x1xf32>
    %add3A_176 = arith.addf %dot_general3A_171, %add3A_175 : vector<2000x1xf32>
    %swap3A_177 = arith.constant 0 : index
    %swap3A_178 = arith.constant 0 : index
    %swap3A_179 = vector.load %arg21[%swap3A_177, %swap3A_178] : memref<2000x1xf32, #tpu.memory_space<vmem>>, vector<2000x1xf32>
    tpu.vector_store %arg21[%swap3A_177, %swap3A_178], %add3A_176 {strides = array<i32>} : memref<2000x1xf32, #tpu.memory_space<vmem>>, vector<2000x1xf32>,
    return
  }
  func.func @transform_0(%arg0: i32) -> (i32, i32, i32) {
    %c0_i32 = arith.constant 0 : i32
    %c0_i32_0 = arith.constant 0 : i32
    %c0_i32_1 = arith.constant 0 : i32
    return %c0_i32, %arg0, %c0_i32_0 : i32, i32, i32
  }
  func.func @transform_1(%arg0: i32) -> (i32, i32) {
    %c0_i32 = arith.constant 0 : i32
    %c0_i32_0 = arith.constant 0 : i32
    return %arg0, %c0_i32 : i32, i32
  }
  func.func @transform_2(%arg0: i32) -> (i32, i32) {
    %c0_i32 = arith.constant 0 : i32
    %c0_i32_0 = arith.constant 0 : i32
    return %arg0, %c0_i32 : i32, i32
  }
  func.func @transform_3(%arg0: i32) -> (i32, i32) {
    %c0_i32 = arith.constant 0 : i32
    %c0_i32_0 = arith.constant 0 : i32
    %c0_i32_1 = arith.constant 0 : i32
    return %c0_i32, %c0_i32_0 : i32, i32
  }
  func.func @transform_4(%arg0: i32) -> (i32, i32) {
    %c0_i32 = arith.constant 0 : i32
    %c0_i32_0 = arith.constant 0 : i32
    %c0_i32_1 = arith.constant 0 : i32
    return %c0_i32, %c0_i32_0 : i32, i32
  }
  func.func @transform_5(%arg0: i32) -> (i32, i32) {
    %c0_i32 = arith.constant 0 : i32
    %c0_i32_0 = arith.constant 0 : i32
    %c0_i32_1 = arith.constant 0 : i32
    return %c0_i32, %c0_i32_0 : i32, i32
  }
  func.func @transform_6(%arg0: i32) -> (i32, i32) {
    %c0_i32 = arith.constant 0 : i32
    %c0_i32_0 = arith.constant 0 : i32
    return %arg0, %c0_i32 : i32, i32
  }
  func.func @transform_7(%arg0: i32) -> (i32, i32) {
    %c0_i32 = arith.constant 0 : i32
    %c0_i32_0 = arith.constant 0 : i32
    %c0_i32_1 = arith.constant 0 : i32
    return %c0_i32, %c0_i32_0 : i32, i32
  }
  func.func @transform_8(%arg0: i32) -> (i32, i32) {
    %c0_i32 = arith.constant 0 : i32
    %c0_i32_0 = arith.constant 0 : i32
    %c0_i32_1 = arith.constant 0 : i32
    return %c0_i32, %c0_i32_0 : i32, i32
  }
  func.func @transform_9(%arg0: i32) -> (i32, i32) {
    %c0_i32 = arith.constant 0 : i32
    %c0_i32_0 = arith.constant 0 : i32
    %c0_i32_1 = arith.constant 0 : i32
    return %c0_i32, %c0_i32_0 : i32, i32
  }
  func.func @transform_10(%arg0: i32) -> (i32, i32) {
    %c0_i32 = arith.constant 0 : i32
    %c0_i32_0 = arith.constant 0 : i32
    %c0_i32_1 = arith.constant 0 : i32
    return %c0_i32, %c0_i32_0 : i32, i32
  }
  func.func @transform_11(%arg0: i32) -> (i32, i32) {
    %c0_i32 = arith.constant 0 : i32
    %c0_i32_0 = arith.constant 0 : i32
    %c0_i32_1 = arith.constant 0 : i32
    return %c0_i32, %c0_i32_0 : i32, i32
  }
  func.func @transform_12(%arg0: i32) -> (i32, i32) {
    %c0_i32 = arith.constant 0 : i32
    %c0_i32_0 = arith.constant 0 : i32
    %c0_i32_1 = arith.constant 0 : i32
    return %c0_i32, %c0_i32_0 : i32, i32
  }
  func.func @transform_13(%arg0: i32) -> (i32, i32) {
    %c0_i32 = arith.constant 0 : i32
    %c0_i32_0 = arith.constant 0 : i32
    %c0_i32_1 = arith.constant 0 : i32
    return %c0_i32, %c0_i32_0 : i32, i32
  }
  func.func @transform_14(%arg0: i32) -> (i32, i32) {
    %c0_i32 = arith.constant 0 : i32
    %c0_i32_0 = arith.constant 0 : i32
    %c0_i32_1 = arith.constant 0 : i32
    return %c0_i32, %c0_i32_0 : i32, i32
  }
  func.func @transform_15(%arg0: i32) -> (i32, i32) {
    %c0_i32 = arith.constant 0 : i32
    %c0_i32_0 = arith.constant 0 : i32
    %c0_i32_1 = arith.constant 0 : i32
    return %c0_i32, %c0_i32_0 : i32, i32
  }
  func.func @transform_16(%arg0: i32) -> (i32, i32) {
    %c0_i32 = arith.constant 0 : i32
    %c0_i32_0 = arith.constant 0 : i32
    %c0_i32_1 = arith.constant 0 : i32
    return %c0_i32, %c0_i32_0 : i32, i32
  }
  func.func @transform_17(%arg0: i32) -> (i32, i32) {
    %c0_i32 = arith.constant 0 : i32
    %c0_i32_0 = arith.constant 0 : i32
    %c0_i32_1 = arith.constant 0 : i32
    return %c0_i32, %c0_i32_0 : i32, i32
  }
  func.func @transform_18(%arg0: i32) -> (i32, i32) {
    %c0_i32 = arith.constant 0 : i32
    %c0_i32_0 = arith.constant 0 : i32
    %c0_i32_1 = arith.constant 0 : i32
    return %c0_i32, %c0_i32_0 : i32, i32
  }
  func.func @transform_19(%arg0: i32) -> (i32, i32) {
    %c0_i32 = arith.constant 0 : i32
    %c0_i32_0 = arith.constant 0 : i32
    return %arg0, %c0_i32 : i32, i32
  }
  func.func @transform_20(%arg0: i32) -> (i32, i32) {
    %c0_i32 = arith.constant 0 : i32
    %c0_i32_0 = arith.constant 0 : i32
    return %arg0, %c0_i32 : i32, i32
  }
}

</mosaic_0001>

<sc_bundles>
// kernel: kernel.12.cloned.1.call-start
scs
__scs_entry_jumppad:
0x0: {  	(pc) =	sbr.rel $0x88, $3  }
0x1: {  	(tag) =	ssettag $0x0;
	lr =	simm.s32 $0x1  }
0x2: {  	[smem:$0x3F8B] =	sst lr;
	_ =	strace $0xD0000000  }
0x3: {  	_ = 	snop  }
0x4: {  	_ = 	snop  }
0x5: {  	_ = 	snop  }
0x6: {  	_ = 	snop  }
0x7: {  	_ = 	snop  }
__scs_overlays_trampoline_lowered:
0x8: {  	[smem:$0x3F9A] =	sst s0  }
0x9: {  	[smem:$0x3F9B] =	sst s1  }
0xa: {  	[smem:$0x3F9C] =	sst s2  }
0xb: {  	[smem:$0x3F9D] =	sst s3  }
0xc: {  	[smem:$0x3F9E] =	sst s4  }
0xd: {  	[smem:$0x3F9F] =	sst s5  }
0xe: {  	[smem:$0x3FA0] =	sst s6  }
0xf: {  	[smem:$0x3FA1] =	sst s7  }
0x10: {  	[smem:$0x3FA2] =	sst s8  }
0x11: {  	[smem:$0x3FA3] =	sst s9;
	s0 =	simm.s32 @!p0 $0x0  }
0x12: {  	s1 =	sld [smem:$0x3F89];
	s0 =	simm.s32 @p0 $0x1  }
0x13: {  	[smem:$0x3FA4] =	sst s0;
	s0 =	simm.s32 @!p1 $0x0  }
0x14: {  	s2 =	sld [smem:$0x3F88];
	s0 =	simm.s32 @p1 $0x1  }
0x15: {  	[smem:$0x3FA5] =	sst s0;
	s0 =	simm.s32 @!p2 $0x0  }
0x16: {  	s3 =	sld [smem:$0x3FDB];
	s0 =	simm.s32 @p2 $0x1  }
0x17: {  	s4 =	simm.s32 $0x1BF5;
	[smem:$0x3FA7] =	sst s0  }
0x18: {  	s0 =	sld [smem:$0x3F8A];
	_ =	swait.ge [sflag:s4], $0x0  }
0x19: {  	s7 =	sld [smem:$0x3F8B]  }
0x1a: {  	s8 =	sadd.s32 $0xFFFFE003, lr  }
0x1b: {  	s9 =	sadd.s32 $0xFFFFFEF7, lr;
	s5 =	simm.s32 $0xFFFFFFFF;
	p2 =	slt.u32 s8, $0xFFFFF086  }
0x1c: {  	p1 =	slt.u32 s9, $0xF7A;
	s5 =	simm.s32 @!p2 $0x0  }
0x1d: {  	s5 =	simm.s32 @p1 $0x1;
	p0 =	seq.s32 s7, s2  }
0x1e: {  	s7 =	smul.u32 @!p0 $0xF7A, s2;
	p2 =	seq.s32 @!p0 s5, $0x0  }
0x1f: {  	s9 =	smul.u32 $0xF7A, s1;
	s8 =	simm.s32 @!p0 $0x1BF5;
	p2 =	por !p2, p0  }
0x20: {  	[sflag:s8] =	ssyncset.s32 @!p0 $0xFFFFF086;
	s6 =	sadd.s32 @!p0 s3, s7;
	s7 =	simm.s32 @!p0 $0x108  }
0x21: {  	s3 =	sadd.s32 s3, s9;
	s6 =	sadd.s32 @!p0 $0x88, s6;
	s7 =	simm.s32 @p2 $0x1082  }
0x22: {  	[simem:s7], [sflag:s8] =	dma.local @!p0 [hbm:s6], $0xF7A  }
0x23: {  	s9 =	sor.u32 $0xD0000000, s2;
	s6 =	simm.s32 $0x108;
	_ =	swait.ge @!p0 [sflag:s8], $0x0  }
0x24: {  	s3 =	sadd.s32 $0x88, s3;
	s6 =	simm.s32 @!p1 $0x1082;
	[sflag:s4] =	ssyncset.s32 $0xFFFFF086  }
0x25: {  	[simem:s6], [sflag:s4] =	dma.local [hbm:s3], $0xF7A  }
0x26: {  	[smem:$0x3F8B] =	sst s1;
	(tag) =	ssettag s2;
	_ =	strace s9  }
0x27: {  	s1 =	sld [smem:$0x3F9B]  }
0x28: {  	s2 =	sld [smem:$0x3F9C]  }
0x29: {  	s4 =	sld [smem:$0x3F9E]  }
0x2a: {  	p0 =	seq.s32 s5, $0x0;
	s5 =	sld [smem:$0x3F9F]  }
0x2b: {  	s6 =	sld [smem:$0x3FA0]  }
0x2c: {  	s7 =	sld [smem:$0x3FA1]  }
0x2d: {  	s3 =	simm.s32 $0x108;
	s8 =	sld [smem:$0x3FA2]  }
0x2e: {  	s3 =	simm.s32 @!p0 $0x1082;
	s9 =	sld [smem:$0x3FA3]  }
0x2f: {  	lr =	sadd.s32 s0, s3;
	s0 =	sld [smem:$0x3F9A]  }
0x30: {  	s3 =	sld [smem:$0x3F9D]  }
0x31: {  	[smem:$0x3FA6] =	sst s10  }
0x32: {  	s10 =	sld [smem:$0x3FA4];
	_ =	sdelay $0x3  }
0x33: {  	p0 =	seq.s32 s10, $0x1;
	s10 =	sld [smem:$0x3FA6];
	_ =	sdelay $0x3  }
0x34: {  	[smem:$0x3FA6] =	sst s10  }
0x35: {  	s10 =	sld [smem:$0x3FA5];
	_ =	sdelay $0x3  }
0x36: {  	p1 =	seq.s32 s10, $0x1;
	s10 =	sld [smem:$0x3FA6];
	_ =	sdelay $0x3  }
0x37: {  	[smem:$0x3FA6] =	sst s10  }
0x38: {  	s10 =	sld [smem:$0x3FA7]  }
0x39: {  	_ = 	snop;
	(pc) =	sbr.ind lr, $3  }
0x3a: {  	_ = 	snop  }
0x3b: {  	_ = 	snop  }
0x3c: {  	p2 =	seq.s32 s10, $0x1;
	s10 =	sld [smem:$0x3FA6]  }
0x3d: {  	_ =	shalt  }
0x3e: {  	_ =	shalt  }
0x3f: {  	_ =	shalt  }
0x40: {  	_ =	shalt  }
0x41: {  	_ =	shalt  }
0x42: {  	_ =	shalt  }
0x43: {  	_ =	shalt  }
0x44: {  	_ =	shalt  }
0x45: {  	_ =	shalt  }
0x46: {  	_ =	shalt  }
0x47: {  	_ =	shalt  }
0x48: {  	_ =	shalt  }
0x49: {  	_ =	shalt  }
0x4a: {  	_ =	shalt  }
0x4b: {  	_ =	shalt  }
0x4c: {  	_ =	shalt  }
0x4d: {  	_ =	shalt  }
0x4e: {  	_ =	shalt  }
0x4f: {  	_ =	shalt  }
0x50: {  	_ =	shalt  }
0x51: {  	_ =	shalt  }
0x52: {  	_ =	shalt  }
0x53: {  	_ =	shalt  }
0x54: {  	_ =	shalt  }
0x55: {  	_ =	shalt  }
0x56: {  	_ =	shalt  }
0x57: {  	_ =	shalt  }
0x58: {  	_ =	shalt  }
0x59: {  	_ =	shalt  }
0x5a: {  	_ =	shalt  }
0x5b: {  	_ =	shalt  }
0x5c: {  	_ =	shalt  }
0x5d: {  	_ =	shalt  }
0x5e: {  	_ =	shalt  }
0x5f: {  	_ =	shalt  }
0x60: {  	_ =	shalt  }
0x61: {  	_ =	shalt  }
0x62: {  	_ =	shalt  }
0x63: {  	_ =	shalt  }
0x64: {  	_ =	shalt  }
0x65: {  	_ =	shalt  }
0x66: {  	_ =	shalt  }
0x67: {  	_ =	shalt  }
0x68: {  	_ =	shalt  }
0x69: {  	_ =	shalt  }
0x6a: {  	_ =	shalt  }
0x6b: {  	_ =	shalt  }
0x6c: {  	_ =	shalt  }
0x6d: {  	_ =	shalt  }
0x6e: {  	_ =	shalt  }
0x6f: {  	_ =	shalt  }
0x70: {  	_ =	shalt  }
0x71: {  	_ =	shalt  }
0x72: {  	_ =	shalt  }
0x73: {  	_ =	shalt  }
0x74: {  	_ =	shalt  }
0x75: {  	_ =	shalt  }
0x76: {  	_ =	shalt  }
0x77: {  	_ =	shalt  }
0x78: {  	_ =	shalt  }
0x79: {  	_ =	shalt  }
0x7a: {  	_ =	shalt  }
0x7b: {  	_ =	shalt  }
0x7c: {  	_ =	shalt  }
0x7d: {  	_ =	shalt  }
0x7e: {  	_ =	shalt  }
0x7f: {  	_ =	shalt  }
0x80: {  	_ =	shalt  }
0x81: {  	_ =	shalt  }
0x82: {  	_ =	shalt  }
0x83: {  	_ =	shalt  }
0x84: {  	_ =	shalt  }
0x85: {  	_ =	shalt  }
0x86: {  	_ =	shalt  }
0x87: {  	_ =	shalt  }
.Lfunc_end0:
.L_simem_size_0:
called_computation.1_lowered:
.L_overlay_start_0:
0x88: {  	s2 =	sld [smem:$0x3FD9]  }
0x89: {  	s3 =	sld [smem:$0x3FFE];
	_ =	sdelay $0x1  }
0x8a: {  	s1 =	srdreg.scid  }
0x8b: {  	s0 =	sand.u32 $0x1, s1  }
0x8c: {  	s16 =	sshll.u32 s0, $0xA;
	s2 =	sadd.s32 s3, s2  }
0x8d: {  	s2 =	sadd.s32 s2, s16  }
0x8e: {  	[smem:$0x3FB2] =	sst s2  }
0x8f: {  	_ = 	snop  }
0x90: {  	(tm) =	ssettm $0x1  }
0x91: {  	s17 =	sld [smem:$0x3FFB];
	_ =	sdelay $0x3  }
0x92: {  	_ =	strace s17  }
0x93: {  	s2 =	sld [smem:$0x3FFC];
	_ =	sdelay $0x3  }
0x94: {  	_ =	strace s2  }
0x95: {  	s2 =	sld [smem:$0x3FFD];
	_ =	sdelay $0x3  }
0x96: {  	_ =	strace s2  }
0x97: {  	_ =	strace $0x8FFFFFFF  }
0x98: {  	s18 =	sld [smem:$0x3FDB];
	_ =	sdelay $0x1  }
0x99: {  	s19 =	simm.s32 $_scs_section_size  }
0x9a: {  	s4 =	simm.s32 $_size__tile_overlayer_lowered;
	s5 =	simm.s32 $_tile_overlayer_lowered  }
0x9b: {  	s22 =	simm.s32 $0x1BFF;
	s21 =	sshll.u32 s5, $0x1;
	s2 =	sadd.s32 s19, s18  }
0x9c: {  	s6 =	simm.s32 $0x0;
	s20 =	sshll.u32 s4, $0x1;
	s4 =	sadd.s32 s21, s2  }
0x9d: {  	[timem:s6], [sflag:s22] =	dma.local [hbm:s4], s20  }
0x9e: {  	_ =	swait.ge [sflag:s22], s20  }
0x9f: {  	s3 =	ssub.s32 $0x0, s20;
	[sflag:s22] =	ssyncset.done $0x0  }
0xa0: {  	[sflag:s22] =	ssyncadd.s32 s3;
	_ =	sdelay $0x1  }
0xa1: {  	s23 =	simm.s32 $0x1B8B  }
0xa2: {  	_ =	swait.ge [sflag:s23], $0x1  }
0xa3: {  	[sflag:s23] =	ssyncset.done $0x0  }
0xa4: {  	s25 =	simm.s32 $0x1B8E;
	s24 =	sld [smem:$0x3FFE];
	[sflag:s23] =	ssyncadd.s32 $0xFFFFFFFF  }
0xa5: {  	s26 =	simm.s32 $execute0_lowered;
	[smem:$0x3FD2] =	sst s25  }
0xa6: {  	s4 =	sshll.u32 s26, $0x1;
	_ =	strace $0x80000049;
	[dreg:$0x1] =	wrdreg $0xFFFFFFFF  }
0xa7: {  	s28 =	simm.s32 $_size_execute0_lowered;
	s2 =	sadd.s32 s2, s4;
	[dreg:$0x0] =	wrdreg $0x0  }
0xa8: {  	s4 =	sshll.u32 s28, $0x1;
	[dreg:$0x2] =	wrdreg s2  }
0xa9: {  	[dreg:$0x3] =	wrdreg s4  }
0xaa: {  	[dreg:$0x4] =	wrdreg $0xC0  }
0xab: {  	_ =	task [dreg:s6], $0x5FFFF  }
0xac: {  	[dreg:$0x1] =	wrdreg $0xFFFFFFFF  }
0xad: {  	[dreg:$0x0] =	wrdreg $0x60  }
0xae: {  	[dreg:$0x2] =	wrdreg s24  }
0xaf: {  	[dreg:$0x3] =	wrdreg $0xB7800  }
0xb0: {  	[dreg:$0x4] =	wrdreg $0x9  }
0xb1: {  	_ =	task.clear_ibuf [dreg:s6], $0x5FFFF;
	_ =	strace $0x90000049  }
0xb2: {  	s29 =	simm.s32 $0x9;
	_ =	strace $0x8000004B  }
0xb3: {  	_ =	swait.ge [sflag:s29], $0x1  }
0xb4: {  	[sflag:s29] =	ssyncadd.s32 $0xFFFFFFFF  }
0xb5: {  	_ =	strace $0x9000004B  }
0xb6: {  	_ =	sfence  }
0xb7: {  	s30 =	sld [smem:$0x0];
	_ =	sdelay $0x2  }
0xb8: {  	s31 =	sshll.u32 s1, $0xD;
	s1 =	sshrl.u32 s1, $0x2  }
0xb9: {  	s3 =	sand.u32 $0x4000, s31;
	s1 =	sadd.s32 s1, s30  }
0xba: {  	s0 =	sor.u32 s3, s0;
	s1 =	sshll.u32 s1, $0x11  }
0xbb: {  	s0 =	sor.u32 s1, s0  }
0xbc: {  	s0 =	sadd.s32 $0x8F2B, s0  }
0xbd: {  	[sflag:s0] =	ssyncadd.remote.s32 $0x1  }
0xbe: {  	_ =	sfence.sel $0xFFFF  }
0xbf: {  	[dreg:$0x0] =	wrdreg $0xFFFFFFFF;
	(pc) =	sbr.abs _section_cstart, $3  }
0xc0: {  	[dreg:$0x1] =	wrdreg $0xFFFFFFFF  }
0xc1: {  	_ =	task.clear_ibuf [dreg:s6], $0x2FFFF;
	_ =	strace $0x9FFFFFFF  }
0xc2: {  	(tm) =	ssettm $0x7FFFFFFF  }
0xc3: {  	_ =	shalt  }
tec
execute0_lowered:
.L_overlay_start_1:
0x0: {  	(tag) =	ssettag $0x1  }
0x1: {  	s1 =	srdreg.scid;
	s8 =	rddreg [dreg:$0x0]  }
0x2: {  	s0 =	stileid.u32;
	s2 =	rddreg [dreg:$0x1];
	s3 =	simm.s32 $0x0  }
0x3: {  	s15 =	simm.s32 $0x2780;
	s19 =	simm.s32 $0x50;
	s20 =	simm.s32 $0x6780  }
0x4: {  	s21 =	simm.s32 $0x1;
	s22 =	simm.s32 $0x8F80;
	s23 =	simm.s32 $0x2  }
0x5: {  	s6 =	sand.u32 $0x1, s1;
	s24 =	sshll.u32 s0, $0x1;
	s1 =	rddreg [dreg:$0x2]  }
0x6: {  	s25 =	sshrl.u32 s0, $0x2;
	[smem:$0x7FF] =	sst s3;
	s10 =	smul.u32 $0x4E000, s0  }
0x7: {  	s11 =	sadd.s32 $0x4F000, s8;
	s13 =	smul.u32 $0x13800, s0;
	s18 =	sadd.s32 $0x138000, s2  }
0x8: {  	p0 =	sne.s32 s0, $0xF;
	s16 =	sshll.u32 s0, $0x6;
	s5 =	sor.u32 s6, s24  }
0x9: {  	s4 =	smul.u32 $0x13C00, s25;
	_ =	strace $0x8000004A;
	s26 =	ssub.s32 $0x2, s6  }
0xa: {  	s14 =	smul.u32 $0x138800, s6;
	s16 =	sor.u32 $0x1C03, s16;
	s18 =	sshrl.u32 @!p0 s18, $0x3  }
0xb: {  	s24 =	simm.s32 $0x6580;
	s25 =	simm.s32 $0x0;
	s7 =	sshll.u32 s5, $0x7  }
0xc: {  	s5 =	sshll.u32 s5, $0xB;
	s12 =	sshrl.u32 s26, $0x1;
	s28 =	sshrl.u32 s10, $0x2  }
0xd: {  	s29 =	sshrl.u32 s13, $0x3;
	s7 =	sand.u32 $0x380, s7;
	s9 =	sadd.s32 s5, s8  }
0xe: {  	s12 =	ssub.s32 s26, s12;
	s17 =	sadd.s32 s28, s2;
	s30 =	sadd.s32 s13, s14  }
0xf: {  	s31 =	sshrl.u32 s14, $0x3;
	s13 =	simm.s32 $0x400;
	s14 =	simm.s32 $0x3  }
0x10: {  	s4 =	sor.u32 s4, s7;
	s6 =	sadd.s32 $0x4200, s9;
	s9 =	sshrl.u32 s30, $0x3  }
0x11: {  	s10 =	sadd.s32 s11, s31;
	s17 =	sshrl.u32 s17, $0x3;
	s7 =	sshrl.u32 s4, $0x3  }
0x12: {  	s4 =	sadd.s32 $0x27E00, s8;
	s9 =	sadd.s32 s11, s9;
	s10 =	sadd.s32 $0x27000, s10  }
0x13: {  	s11 =	smax.u32 s12, $0x1;
	s12 =	simm.s32 $0x80;
	s7 =	sadd.s32 s7, s8  }
0x14: {  	s8 =	sadd.s32 $0x4EE00, s8;
	s5 =	sadd.s32 $0x1E000, s7;
	s7 =	sadd.s32 s4, s29  }
.LBB2_1:
0x15: {  	[tilespmem:s3], [sflag:$0x3] =	stream.strided.gather [hbm4b:s5+s12], $0x2780, s13, s12, $0x38;
	[tilespmem:$0x1F000] =	vst v63  }
0x16: {  	_ =	swait.ge [sflag:s14], $0x2780  }
0x17: {  	[sflag:s14] =	ssyncset.done $0x0  }
0x18: {  	[sflag:s14] =	ssyncadd.s32 $0xFFFFD880  }
0x19: {  	[tilespmem:s15], [sflag:$0x3] =	stream.linear.gather [hbm4b:s6+s3], $0x3E80, $0x38;
	[tilespmem:$0x1F000] =	vst v63  }
0x1a: {  	_ =	swait.ge [sflag:s14], $0x3E80  }
0x1b: {  	[sflag:s14] =	ssyncset.done $0x0  }
0x1c: {  	[sflag:s14] =	ssyncadd.s32 $0xFFFFC180  }
0x1d: {  	[spmem:s17], [sflag:s16] =	dma.local [hbm:s7], $0x2700  }
0x1e: {  	_ =	swait.ge [sflag:s14], $0x2700  }
0x1f: {  	[sflag:s14] =	ssyncset.done $0x0  }
0x20: {  	s26 =	simm.s32 @!p0 $0x3;
	[sflag:s14] =	ssyncadd.s32 $0xFFFFD900  }
0x21: {  	[spmem:s18], [sflag:s16] =	dma.local @!p0 [hbm:s8], $0x100  }
0x22: {  	_ =	swait.ge @!p0 [sflag:s26], $0x100  }
0x23: {  	[sflag:s26] =	ssyncset.done @!p0 $0x0  }
0x24: {  	[sflag:s26] =	ssyncadd.s32 @!p0 $0xFFFFFF00  }
0x25: {  	[bflag:$0x0] =	sbarrier.arrive $0xFFFF  }
0x26: {  	[tilespmem:s20], [sflag:$0x1] =	stream.indirect.gather [hbm4b:s4+s19], $0x80, s3, s19, $0xb8;
	[tilespmem:$0x1F000] =	vst v63  }
0x27: {  	_ =	swait.ge [sflag:s21], $0x2800  }
0x28: {  	[sflag:s21] =	ssyncset.done $0x0  }
0x29: {  	s30 =	simm.s32 $0x50;
	[sflag:s21] =	ssyncadd.s32 $0xFFFFD800  }
0x2a: {  	[tilespmem:s22], [sflag:$0x2] =	stream.indirect.gather [hbm4b:s4+s19], $0x80, s30, s19, $0xb8;
	[tilespmem:$0x1F000] =	vst v63  }
0x2b: {  	s31 =	simm.s32 $0x2780  }
0x2c: {  	[spmem:s2] =	stream.indirect.scatter.add.f32 [tilespmem:s20], [sflag:$0x3], $0x80, s31, s19, $0xb8;
	[tilespmem:$0x1F000] =	vst v63  }
0x2d: {  	_ =	swait.ge [sflag:s14], $0x2800  }
0x2e: {  	[sflag:s14] =	ssyncset.done $0x0  }
0x2f: {  	s26 =	simm.s32 $0xA0;
	[sflag:s14] =	ssyncadd.s32 $0xFFFFD800  }
0x30: {  	[tilespmem:s20], [sflag:$0x1] =	stream.indirect.gather [hbm4b:s4+s19], $0x80, s26, s19, $0xb8;
	[tilespmem:$0x1F000] =	vst v63  }
0x31: {  	_ =	swait.ge [sflag:s23], $0x2800  }
0x32: {  	[sflag:s23] =	ssyncset.done $0x0  }
0x33: {  	s28 =	simm.s32 $0x2800;
	[sflag:s23] =	ssyncadd.s32 $0xFFFFD800  }
0x34: {  	[spmem:s2] =	stream.indirect.scatter.add.f32 [tilespmem:s22], [sflag:$0x3], $0x80, s28, s19, $0xb8;
	[tilespmem:$0x1F000] =	vst v63  }
0x35: {  	_ =	swait.ge [sflag:s14], $0x2800  }
0x36: {  	s28 =	simm.s32 $0x400;
	[sflag:s14] =	ssyncset.done $0x0  }
.LBB2_2:
0x37: {  	p1 =	sne.s32 s28, $0xF400;
	[sflag:s14] =	ssyncadd.s32 $0xFFFFD800;
	s26 =	sadd.s32 $0xA0, s26  }
0x38: {  	s29 =	smov.u32 s28;
	s28 =	sadd.s32 $0x400, s28;
	_ =	swait.ge [sflag:s21], $0x2800  }
0x39: {  	[sflag:s21] =	ssyncset.done $0x0  }
0x3a: {  	s30 =	sadd.s32 $0xFFFFFFB0, s26;
	s29 =	sshra.s32 s29, $0x2;
	[sflag:s21] =	ssyncadd.s32 $0xFFFFD800  }
0x3b: {  	[tilespmem:s22], [sflag:$0x2] =	stream.indirect.gather [hbm4b:s4+s19], $0x80, s30, s19, $0xb8;
	[tilespmem:$0x1F000] =	vst v63  }
0x3c: {  	s30 =	sadd.s32 $0x2780, s29  }
0x3d: {  	[spmem:s2] =	stream.indirect.scatter.add.f32 [tilespmem:s20], [sflag:$0x3], $0x80, s30, s19, $0xb8;
	[tilespmem:$0x1F000] =	vst v63  }
0x3e: {  	_ =	swait.ge [sflag:s14], $0x2800  }
0x3f: {  	[sflag:s14] =	ssyncset.done $0x0  }
0x40: {  	[sflag:s14] =	ssyncadd.s32 $0xFFFFD800  }
0x41: {  	[tilespmem:s20], [sflag:$0x1] =	stream.indirect.gather [hbm4b:s4+s19], $0x80, s26, s19, $0xb8;
	[tilespmem:$0x1F000] =	vst v63  }
0x42: {  	_ =	swait.ge [sflag:s23], $0x2800  }
.Ltmp0:
0x43: {  	[sflag:s23] =	ssyncset.done $0x0;
	(pc) =	sbr.rel @p1 .LBB2_2-.Ltmp0, $4  }
0x44: {  	s29 =	sadd.s32 $0x2800, s29;
	[sflag:s23] =	ssyncadd.s32 $0xFFFFD800  }
0x45: {  	[spmem:s2] =	stream.indirect.scatter.add.f32 [tilespmem:s22], [sflag:$0x3], $0x80, s29, s19, $0xb8;
	[tilespmem:$0x1F000] =	vst v63  }
0x46: {  	_ =	swait.ge [sflag:s14], $0x2800  }
0x47: {  	[sflag:s14] =	ssyncset.done $0x0  }
0x48: {  	[sflag:s14] =	ssyncadd.s32 $0xFFFFD800  }
0x49: {  	_ =	swait.ge [sflag:s21], $0x2800  }
0x4a: {  	[sflag:s21] =	ssyncset.done $0x0  }
0x4b: {  	[sflag:s21] =	ssyncadd.s32 $0xFFFFD800  }
0x4c: {  	[spmem:s2] =	stream.indirect.scatter.add.f32 [tilespmem:s20], [sflag:$0x3], $0x80, s24, s19, $0xb8;
	[tilespmem:$0x1F000] =	vst v63  }
0x4d: {  	_ =	swait.ge [sflag:s14], $0x2800  }
0x4e: {  	[sflag:s14] =	ssyncset.done $0x0  }
0x4f: {  	[sflag:s14] =	ssyncadd.s32 $0xFFFFD800  }
0x50: {  	[bflag:$0x0] =	sbarrier.arrive $0xFFFF  }
0x51: {  	[hbm:s9], [sflag:s16] =	dma.local [spmem:s17], $0x2700  }
0x52: {  	s25 =	sadd.s32 $0x1, s25;
	_ =	swait.ge [sflag:s14], $0x2700  }
0x53: {  	p1 =	sne.s32 s25, s11;
	[sflag:s14] =	ssyncset.done $0x0  }
.Ltmp1:
0x54: {  	s26 =	simm.s32 @!p0 $0x3;
	[sflag:s14] =	ssyncadd.s32 $0xFFFFD900;
	(pc) =	sbr.rel @p1 .LBB2_1-.Ltmp1, $4  }
0x55: {  	[hbm:s10], [sflag:s16] =	dma.local @!p0 [spmem:s18], $0x100  }
0x56: {  	_ =	swait.ge @!p0 [sflag:s26], $0x100  }
0x57: {  	[sflag:s26] =	ssyncset.done @!p0 $0x0  }
0x58: {  	[sflag:s26] =	ssyncadd.s32 @!p0 $0xFFFFFF00  }
0x59: {  	_ =	sfence.sel $0x180000  }
0x5a: {  	[bflag:$0x0] =	sbarrier.arrive $0xFFFF  }
0x5b: {  	p0 =	sne.s32 s0, $0x0;
	_ =	strace $0x9000004A  }
0x5c: {  	s0 =	sadd.s32 @!p0 $0x100000, s1;
	[bflag:$0x2] =	sbarrier.arrive $0xFFFF  }
0x5d: {  	[sflag:s0] =	ssyncadd.tile.s32 @!p0 $0x1;
	_ =	shalt  }
.Lfunc_end2:
_tile_overlayer_lowered:
.L_overlay_start_2:
0x5e: {  	(tag) =	ssettag $0x2  }
0x5f: {  	s0 =	rddreg [dreg:$0x0];
	s2 =	stileid.u32  }
0x60: {  	s1 =	rddreg [dreg:$0x1];
	p0 =	sne.s32 s2, $0x0  }
0x61: {  	s3 =	rddreg [dreg:$0x2];
	[bflag:$0x3] =	sbarrier.arrive $0xFFFF;
	s2 =	simm.s32 @!p0 $0x1C03  }
0x62: {  	[timem:s3], [sflag:s2] =	dma.local @!p0 [hbm:s0], s1  }
0x63: {  	s0 =	simm.s32 @!p0 $0x3  }
0x64: {  	_ =	swait.ge @!p0 [sflag:s0], s1  }
0x65: {  	s1 =	ssub.s32 @!p0 $0x0, s1;
	[sflag:s0] =	ssyncset.done @!p0 $0x0  }
0x66: {  	[sflag:s0] =	ssyncadd.s32 @!p0 s1  }
0x67: {  	[bflag:$0x3] =	sbarrier.arrive $0xFFFF  }
0x68: {  	_ =	shalt  }

// kernel: kernel.15.cloned.1.call-start
scs
__scs_entry_jumppad:
0x0: {  	(pc) =	sbr.rel $0x88, $3  }
0x1: {  	(tag) =	ssettag $0x0;
	lr =	simm.s32 $0x1  }
0x2: {  	[smem:$0x3F8B] =	sst lr;
	_ =	strace $0xD0000000  }
0x3: {  	_ = 	snop  }
0x4: {  	_ = 	snop  }
0x5: {  	_ = 	snop  }
0x6: {  	_ = 	snop  }
0x7: {  	_ = 	snop  }
__scs_overlays_trampoline_lowered:
0x8: {  	[smem:$0x3F9A] =	sst s0  }
0x9: {  	[smem:$0x3F9B] =	sst s1  }
0xa: {  	[smem:$0x3F9C] =	sst s2  }
0xb: {  	[smem:$0x3F9D] =	sst s3  }
0xc: {  	[smem:$0x3F9E] =	sst s4  }
0xd: {  	[smem:$0x3F9F] =	sst s5  }
0xe: {  	[smem:$0x3FA0] =	sst s6  }
0xf: {  	[smem:$0x3FA1] =	sst s7  }
0x10: {  	[smem:$0x3FA2] =	sst s8  }
0x11: {  	[smem:$0x3FA3] =	sst s9;
	s0 =	simm.s32 @!p0 $0x0  }
0x12: {  	s1 =	sld [smem:$0x3F89];
	s0 =	simm.s32 @p0 $0x1  }
0x13: {  	[smem:$0x3FA4] =	sst s0;
	s0 =	simm.s32 @!p1 $0x0  }
0x14: {  	s2 =	sld [smem:$0x3F88];
	s0 =	simm.s32 @p1 $0x1  }
0x15: {  	[smem:$0x3FA5] =	sst s0;
	s0 =	simm.s32 @!p2 $0x0  }
0x16: {  	s3 =	sld [smem:$0x3FDB];
	s0 =	simm.s32 @p2 $0x1  }
0x17: {  	s4 =	simm.s32 $0x1BF5;
	[smem:$0x3FA7] =	sst s0  }
0x18: {  	s0 =	sld [smem:$0x3F8A];
	_ =	swait.ge [sflag:s4], $0x0  }
0x19: {  	s7 =	sld [smem:$0x3F8B]  }
0x1a: {  	s8 =	sadd.s32 $0xFFFFE003, lr  }
0x1b: {  	s9 =	sadd.s32 $0xFFFFFEF7, lr;
	s5 =	simm.s32 $0xFFFFFFFF;
	p2 =	slt.u32 s8, $0xFFFFF086  }
0x1c: {  	p1 =	slt.u32 s9, $0xF7A;
	s5 =	simm.s32 @!p2 $0x0  }
0x1d: {  	s5 =	simm.s32 @p1 $0x1;
	p0 =	seq.s32 s7, s2  }
0x1e: {  	s7 =	smul.u32 @!p0 $0xF7A, s2;
	p2 =	seq.s32 @!p0 s5, $0x0  }
0x1f: {  	s9 =	smul.u32 $0xF7A, s1;
	s8 =	simm.s32 @!p0 $0x1BF5;
	p2 =	por !p2, p0  }
0x20: {  	[sflag:s8] =	ssyncset.s32 @!p0 $0xFFFFF086;
	s6 =	sadd.s32 @!p0 s3, s7;
	s7 =	simm.s32 @!p0 $0x108  }
0x21: {  	s3 =	sadd.s32 s3, s9;
	s6 =	sadd.s32 @!p0 $0x88, s6;
	s7 =	simm.s32 @p2 $0x1082  }
0x22: {  	[simem:s7], [sflag:s8] =	dma.local @!p0 [hbm:s6], $0xF7A  }
0x23: {  	s9 =	sor.u32 $0xD0000000, s2;
	s6 =	simm.s32 $0x108;
	_ =	swait.ge @!p0 [sflag:s8], $0x0  }
0x24: {  	s3 =	sadd.s32 $0x88, s3;
	s6 =	simm.s32 @!p1 $0x1082;
	[sflag:s4] =	ssyncset.s32 $0xFFFFF086  }
0x25: {  	[simem:s6], [sflag:s4] =	dma.local [hbm:s3], $0xF7A  }
0x26: {  	[smem:$0x3F8B] =	sst s1;
	(tag) =	ssettag s2;
	_ =	strace s9  }
0x27: {  	s1 =	sld [smem:$0x3F9B]  }
0x28: {  	s2 =	sld [smem:$0x3F9C]  }
0x29: {  	s4 =	sld [smem:$0x3F9E]  }
0x2a: {  	p0 =	seq.s32 s5, $0x0;
	s5 =	sld [smem:$0x3F9F]  }
0x2b: {  	s6 =	sld [smem:$0x3FA0]  }
0x2c: {  	s7 =	sld [smem:$0x3FA1]  }
0x2d: {  	s3 =	simm.s32 $0x108;
	s8 =	sld [smem:$0x3FA2]  }
0x2e: {  	s3 =	simm.s32 @!p0 $0x1082;
	s9 =	sld [smem:$0x3FA3]  }
0x2f: {  	lr =	sadd.s32 s0, s3;
	s0 =	sld [smem:$0x3F9A]  }
0x30: {  	s3 =	sld [smem:$0x3F9D]  }
0x31: {  	[smem:$0x3FA6] =	sst s10  }
0x32: {  	s10 =	sld [smem:$0x3FA4];
	_ =	sdelay $0x3  }
0x33: {  	p0 =	seq.s32 s10, $0x1;
	s10 =	sld [smem:$0x3FA6];
	_ =	sdelay $0x3  }
0x34: {  	[smem:$0x3FA6] =	sst s10  }
0x35: {  	s10 =	sld [smem:$0x3FA5];
	_ =	sdelay $0x3  }
0x36: {  	p1 =	seq.s32 s10, $0x1;
	s10 =	sld [smem:$0x3FA6];
	_ =	sdelay $0x3  }
0x37: {  	[smem:$0x3FA6] =	sst s10  }
0x38: {  	s10 =	sld [smem:$0x3FA7]  }
0x39: {  	_ = 	snop;
	(pc) =	sbr.ind lr, $3  }
0x3a: {  	_ = 	snop  }
0x3b: {  	_ = 	snop  }
0x3c: {  	p2 =	seq.s32 s10, $0x1;
	s10 =	sld [smem:$0x3FA6]  }
0x3d: {  	_ =	shalt  }
0x3e: {  	_ =	shalt  }
0x3f: {  	_ =	shalt  }
0x40: {  	_ =	shalt  }
0x41: {  	_ =	shalt  }
0x42: {  	_ =	shalt  }
0x43: {  	_ =	shalt  }
0x44: {  	_ =	shalt  }
0x45: {  	_ =	shalt  }
0x46: {  	_ =	shalt  }
0x47: {  	_ =	shalt  }
0x48: {  	_ =	shalt  }
0x49: {  	_ =	shalt  }
0x4a: {  	_ =	shalt  }
0x4b: {  	_ =	shalt  }
0x4c: {  	_ =	shalt  }
0x4d: {  	_ =	shalt  }
0x4e: {  	_ =	shalt  }
0x4f: {  	_ =	shalt  }
0x50: {  	_ =	shalt  }
0x51: {  	_ =	shalt  }
0x52: {  	_ =	shalt  }
0x53: {  	_ =	shalt  }
0x54: {  	_ =	shalt  }
0x55: {  	_ =	shalt  }
0x56: {  	_ =	shalt  }
0x57: {  	_ =	shalt  }
0x58: {  	_ =	shalt  }
0x59: {  	_ =	shalt  }
0x5a: {  	_ =	shalt  }
0x5b: {  	_ =	shalt  }
0x5c: {  	_ =	shalt  }
0x5d: {  	_ =	shalt  }
0x5e: {  	_ =	shalt  }
0x5f: {  	_ =	shalt  }
0x60: {  	_ =	shalt  }
0x61: {  	_ =	shalt  }
0x62: {  	_ =	shalt  }
0x63: {  	_ =	shalt  }
0x64: {  	_ =	shalt  }
0x65: {  	_ =	shalt  }
0x66: {  	_ =	shalt  }
0x67: {  	_ =	shalt  }
0x68: {  	_ =	shalt  }
0x69: {  	_ =	shalt  }
0x6a: {  	_ =	shalt  }
0x6b: {  	_ =	shalt  }
0x6c: {  	_ =	shalt  }
0x6d: {  	_ =	shalt  }
0x6e: {  	_ =	shalt  }
0x6f: {  	_ =	shalt  }
0x70: {  	_ =	shalt  }
0x71: {  	_ =	shalt  }
0x72: {  	_ =	shalt  }
0x73: {  	_ =	shalt  }
0x74: {  	_ =	shalt  }
0x75: {  	_ =	shalt  }
0x76: {  	_ =	shalt  }
0x77: {  	_ =	shalt  }
0x78: {  	_ =	shalt  }
0x79: {  	_ =	shalt  }
0x7a: {  	_ =	shalt  }
0x7b: {  	_ =	shalt  }
0x7c: {  	_ =	shalt  }
0x7d: {  	_ =	shalt  }
0x7e: {  	_ =	shalt  }
0x7f: {  	_ =	shalt  }
0x80: {  	_ =	shalt  }
0x81: {  	_ =	shalt  }
0x82: {  	_ =	shalt  }
0x83: {  	_ =	shalt  }
0x84: {  	_ =	shalt  }
0x85: {  	_ =	shalt  }
0x86: {  	_ =	shalt  }
0x87: {  	_ =	shalt  }
.Lfunc_end0:
.L_simem_size_0:
called_computation.2_lowered:
.L_overlay_start_0:
0x88: {  	s2 =	sld [smem:$0x3FD9]  }
0x89: {  	s3 =	sld [smem:$0x3FFE];
	_ =	sdelay $0x1  }
0x8a: {  	s1 =	srdreg.scid  }
0x8b: {  	s0 =	sand.u32 $0x1, s1  }
0x8c: {  	s16 =	sshll.u32 s0, $0xA;
	s2 =	sadd.s32 s3, s2  }
0x8d: {  	s2 =	sadd.s32 s2, s16  }
0x8e: {  	[smem:$0x3FB2] =	sst s2  }
0x8f: {  	_ = 	snop  }
0x90: {  	(tm) =	ssettm $0x1  }
0x91: {  	s17 =	sld [smem:$0x3FFB];
	_ =	sdelay $0x3  }
0x92: {  	_ =	strace s17  }
0x93: {  	s2 =	sld [smem:$0x3FFC];
	_ =	sdelay $0x3  }
0x94: {  	_ =	strace s2  }
0x95: {  	s2 =	sld [smem:$0x3FFD];
	_ =	sdelay $0x3  }
0x96: {  	_ =	strace s2  }
0x97: {  	_ =	strace $0x8FFFFFFF  }
0x98: {  	s18 =	sld [smem:$0x3FDB];
	_ =	sdelay $0x1  }
0x99: {  	s19 =	simm.s32 $_scs_section_size  }
0x9a: {  	s4 =	simm.s32 $_size__tile_overlayer_lowered;
	s5 =	simm.s32 $_tile_overlayer_lowered  }
0x9b: {  	s22 =	simm.s32 $0x1BFF;
	s21 =	sshll.u32 s5, $0x1;
	s2 =	sadd.s32 s19, s18  }
0x9c: {  	s6 =	simm.s32 $0x0;
	s20 =	sshll.u32 s4, $0x1;
	s4 =	sadd.s32 s21, s2  }
0x9d: {  	[timem:s6], [sflag:s22] =	dma.local [hbm:s4], s20  }
0x9e: {  	_ =	swait.ge [sflag:s22], s20  }
0x9f: {  	s3 =	ssub.s32 $0x0, s20;
	[sflag:s22] =	ssyncset.done $0x0  }
0xa0: {  	[sflag:s22] =	ssyncadd.s32 s3;
	_ =	sdelay $0x1  }
0xa1: {  	s23 =	simm.s32 $0x1B8B  }
0xa2: {  	_ =	swait.ge [sflag:s23], $0x1  }
0xa3: {  	[sflag:s23] =	ssyncset.done $0x0  }
0xa4: {  	s25 =	simm.s32 $0x1B8E;
	s24 =	sld [smem:$0x3FFE];
	[sflag:s23] =	ssyncadd.s32 $0xFFFFFFFF  }
0xa5: {  	s26 =	simm.s32 $execute0_lowered;
	[smem:$0x3FD2] =	sst s25  }
0xa6: {  	s4 =	sshll.u32 s26, $0x1;
	_ =	strace $0x8000004C;
	[dreg:$0x1] =	wrdreg $0xFFFFFFFF  }
0xa7: {  	s28 =	simm.s32 $_size_execute0_lowered;
	s2 =	sadd.s32 s2, s4;
	[dreg:$0x0] =	wrdreg $0x0  }
0xa8: {  	s4 =	sshll.u32 s28, $0x1;
	[dreg:$0x2] =	wrdreg s2  }
0xa9: {  	[dreg:$0x3] =	wrdreg s4  }
0xaa: {  	[dreg:$0x4] =	wrdreg $0xC0  }
0xab: {  	_ =	task [dreg:s6], $0x5FFFF  }
0xac: {  	[dreg:$0x1] =	wrdreg $0xFFFFFFFF  }
0xad: {  	[dreg:$0x0] =	wrdreg $0x60  }
0xae: {  	[dreg:$0x2] =	wrdreg s24  }
0xaf: {  	[dreg:$0x3] =	wrdreg $0xB7800  }
0xb0: {  	[dreg:$0x4] =	wrdreg $0x9  }
0xb1: {  	_ =	task.clear_ibuf [dreg:s6], $0x5FFFF;
	_ =	strace $0x9000004C  }
0xb2: {  	s29 =	simm.s32 $0x9;
	_ =	strace $0x8000004E  }
0xb3: {  	_ =	swait.ge [sflag:s29], $0x1  }
0xb4: {  	[sflag:s29] =	ssyncadd.s32 $0xFFFFFFFF  }
0xb5: {  	_ =	strace $0x9000004E  }
0xb6: {  	_ =	sfence  }
0xb7: {  	s30 =	sld [smem:$0x0];
	_ =	sdelay $0x2  }
0xb8: {  	s31 =	sshll.u32 s1, $0xD;
	s1 =	sshrl.u32 s1, $0x2  }
0xb9: {  	s3 =	sand.u32 $0x4000, s31;
	s1 =	sadd.s32 s1, s30  }
0xba: {  	s0 =	sor.u32 s3, s0;
	s1 =	sshll.u32 s1, $0x11  }
0xbb: {  	s0 =	sor.u32 s1, s0  }
0xbc: {  	s0 =	sadd.s32 $0x8F2B, s0  }
0xbd: {  	[sflag:s0] =	ssyncadd.remote.s32 $0x1  }
0xbe: {  	_ =	sfence.sel $0xFFFF  }
0xbf: {  	[dreg:$0x0] =	wrdreg $0xFFFFFFFF;
	(pc) =	sbr.abs _section_cstart, $3  }
0xc0: {  	[dreg:$0x1] =	wrdreg $0xFFFFFFFF  }
0xc1: {  	_ =	task.clear_ibuf [dreg:s6], $0x2FFFF;
	_ =	strace $0x9FFFFFFF  }
0xc2: {  	(tm) =	ssettm $0x7FFFFFFF  }
0xc3: {  	_ =	shalt  }
tec
execute0_lowered:
.L_overlay_start_1:
0x0: {  	(tag) =	ssettag $0x1  }
0x1: {  	s1 =	srdreg.scid;
	s8 =	rddreg [dreg:$0x0]  }
0x2: {  	s0 =	stileid.u32;
	s2 =	rddreg [dreg:$0x1];
	s3 =	simm.s32 $0x0  }
0x3: {  	s15 =	simm.s32 $0x2780;
	s19 =	simm.s32 $0x50;
	s20 =	simm.s32 $0x6780  }
0x4: {  	s21 =	simm.s32 $0x1;
	s22 =	simm.s32 $0x8F80;
	s23 =	simm.s32 $0x2  }
0x5: {  	s6 =	sand.u32 $0x1, s1;
	s24 =	sshll.u32 s0, $0x1;
	s1 =	rddreg [dreg:$0x2]  }
0x6: {  	s25 =	sshrl.u32 s0, $0x2;
	[smem:$0x7FF] =	sst s3;
	s10 =	smul.u32 $0x4E000, s0  }
0x7: {  	s11 =	sadd.s32 $0x76200, s8;
	s13 =	smul.u32 $0x13800, s0;
	s18 =	sadd.s32 $0x138000, s2  }
0x8: {  	p0 =	sne.s32 s0, $0xF;
	s16 =	sshll.u32 s0, $0x6;
	s5 =	sor.u32 s6, s24  }
0x9: {  	s4 =	smul.u32 $0x13C00, s25;
	_ =	strace $0x8000004D;
	s26 =	ssub.s32 $0x2, s6  }
0xa: {  	s14 =	smul.u32 $0x138800, s6;
	s16 =	sor.u32 $0x1C03, s16;
	s18 =	sshrl.u32 @!p0 s18, $0x3  }
0xb: {  	s24 =	simm.s32 $0x6580;
	s25 =	simm.s32 $0x0;
	s7 =	sshll.u32 s5, $0x7  }
0xc: {  	s5 =	sshll.u32 s5, $0xB;
	s12 =	sshrl.u32 s26, $0x1;
	s28 =	sshrl.u32 s10, $0x2  }
0xd: {  	s29 =	sshrl.u32 s13, $0x3;
	s7 =	sand.u32 $0x380, s7;
	s9 =	sadd.s32 s5, s8  }
0xe: {  	s12 =	ssub.s32 s26, s12;
	s17 =	sadd.s32 s28, s2;
	s30 =	sadd.s32 s13, s14  }
0xf: {  	s31 =	sshrl.u32 s14, $0x3;
	s13 =	simm.s32 $0x400;
	s14 =	simm.s32 $0x3  }
0x10: {  	s4 =	sor.u32 s4, s7;
	s6 =	sadd.s32 $0x4200, s9;
	s9 =	sshrl.u32 s30, $0x3  }
0x11: {  	s10 =	sadd.s32 s11, s31;
	s17 =	sshrl.u32 s17, $0x3;
	s7 =	sshrl.u32 s4, $0x3  }
0x12: {  	s4 =	sadd.s32 $0x27E00, s8;
	s9 =	sadd.s32 s11, s9;
	s10 =	sadd.s32 $0x27000, s10  }
0x13: {  	s11 =	smax.u32 s12, $0x1;
	s12 =	simm.s32 $0x80;
	s7 =	sadd.s32 s7, s8  }
0x14: {  	s8 =	sadd.s32 $0x4EE00, s8;
	s5 =	sadd.s32 $0x1E000, s7;
	s7 =	sadd.s32 s4, s29  }
.LBB2_1:
0x15: {  	[tilespmem:s3], [sflag:$0x3] =	stream.strided.gather [hbm4b:s5+s12], $0x2780, s13, s12, $0x38;
	[tilespmem:$0x1F000] =	vst v63  }
0x16: {  	_ =	swait.ge [sflag:s14], $0x2780  }
0x17: {  	[sflag:s14] =	ssyncset.done $0x0  }
0x18: {  	[sflag:s14] =	ssyncadd.s32 $0xFFFFD880  }
0x19: {  	[tilespmem:s15], [sflag:$0x3] =	stream.linear.gather [hbm4b:s6+s3], $0x3E80, $0x38;
	[tilespmem:$0x1F000] =	vst v63  }
0x1a: {  	_ =	swait.ge [sflag:s14], $0x3E80  }
0x1b: {  	[sflag:s14] =	ssyncset.done $0x0  }
0x1c: {  	[sflag:s14] =	ssyncadd.s32 $0xFFFFC180  }
0x1d: {  	[spmem:s17], [sflag:s16] =	dma.local [hbm:s7], $0x2700  }
0x1e: {  	_ =	swait.ge [sflag:s14], $0x2700  }
0x1f: {  	[sflag:s14] =	ssyncset.done $0x0  }
0x20: {  	s26 =	simm.s32 @!p0 $0x3;
	[sflag:s14] =	ssyncadd.s32 $0xFFFFD900  }
0x21: {  	[spmem:s18], [sflag:s16] =	dma.local @!p0 [hbm:s8], $0x100  }
0x22: {  	_ =	swait.ge @!p0 [sflag:s26], $0x100  }
0x23: {  	[sflag:s26] =	ssyncset.done @!p0 $0x0  }
0x24: {  	[sflag:s26] =	ssyncadd.s32 @!p0 $0xFFFFFF00  }
0x25: {  	[bflag:$0x0] =	sbarrier.arrive $0xFFFF  }
0x26: {  	[tilespmem:s20], [sflag:$0x1] =	stream.indirect.gather [hbm4b:s4+s19], $0x80, s3, s19, $0xb8;
	[tilespmem:$0x1F000] =	vst v63  }
0x27: {  	_ =	swait.ge [sflag:s21], $0x2800  }
0x28: {  	[sflag:s21] =	ssyncset.done $0x0  }
0x29: {  	s30 =	simm.s32 $0x50;
	[sflag:s21] =	ssyncadd.s32 $0xFFFFD800  }
0x2a: {  	[tilespmem:s22], [sflag:$0x2] =	stream.indirect.gather [hbm4b:s4+s19], $0x80, s30, s19, $0xb8;
	[tilespmem:$0x1F000] =	vst v63  }
0x2b: {  	s31 =	simm.s32 $0x2780  }
0x2c: {  	[spmem:s2] =	stream.indirect.scatter.add.f32 [tilespmem:s20], [sflag:$0x3], $0x80, s31, s19, $0xb8;
	[tilespmem:$0x1F000] =	vst v63  }
0x2d: {  	_ =	swait.ge [sflag:s14], $0x2800  }
0x2e: {  	[sflag:s14] =	ssyncset.done $0x0  }
0x2f: {  	s26 =	simm.s32 $0xA0;
	[sflag:s14] =	ssyncadd.s32 $0xFFFFD800  }
0x30: {  	[tilespmem:s20], [sflag:$0x1] =	stream.indirect.gather [hbm4b:s4+s19], $0x80, s26, s19, $0xb8;
	[tilespmem:$0x1F000] =	vst v63  }
0x31: {  	_ =	swait.ge [sflag:s23], $0x2800  }
0x32: {  	[sflag:s23] =	ssyncset.done $0x0  }
0x33: {  	s28 =	simm.s32 $0x2800;
	[sflag:s23] =	ssyncadd.s32 $0xFFFFD800  }
0x34: {  	[spmem:s2] =	stream.indirect.scatter.add.f32 [tilespmem:s22], [sflag:$0x3], $0x80, s28, s19, $0xb8;
	[tilespmem:$0x1F000] =	vst v63  }
0x35: {  	_ =	swait.ge [sflag:s14], $0x2800  }
0x36: {  	s28 =	simm.s32 $0x400;
	[sflag:s14] =	ssyncset.done $0x0  }
.LBB2_2:
0x37: {  	p1 =	sne.s32 s28, $0xF400;
	[sflag:s14] =	ssyncadd.s32 $0xFFFFD800;
	s26 =	sadd.s32 $0xA0, s26  }
0x38: {  	s29 =	smov.u32 s28;
	s28 =	sadd.s32 $0x400, s28;
	_ =	swait.ge [sflag:s21], $0x2800  }
0x39: {  	[sflag:s21] =	ssyncset.done $0x0  }
0x3a: {  	s30 =	sadd.s32 $0xFFFFFFB0, s26;
	s29 =	sshra.s32 s29, $0x2;
	[sflag:s21] =	ssyncadd.s32 $0xFFFFD800  }
0x3b: {  	[tilespmem:s22], [sflag:$0x2] =	stream.indirect.gather [hbm4b:s4+s19], $0x80, s30, s19, $0xb8;
	[tilespmem:$0x1F000] =	vst v63  }
0x3c: {  	s30 =	sadd.s32 $0x2780, s29  }
0x3d: {  	[spmem:s2] =	stream.indirect.scatter.add.f32 [tilespmem:s20], [sflag:$0x3], $0x80, s30, s19, $0xb8;
	[tilespmem:$0x1F000] =	vst v63  }
0x3e: {  	_ =	swait.ge [sflag:s14], $0x2800  }
0x3f: {  	[sflag:s14] =	ssyncset.done $0x0  }
0x40: {  	[sflag:s14] =	ssyncadd.s32 $0xFFFFD800  }
0x41: {  	[tilespmem:s20], [sflag:$0x1] =	stream.indirect.gather [hbm4b:s4+s19], $0x80, s26, s19, $0xb8;
	[tilespmem:$0x1F000] =	vst v63  }
0x42: {  	_ =	swait.ge [sflag:s23], $0x2800  }
.Ltmp0:
0x43: {  	[sflag:s23] =	ssyncset.done $0x0;
	(pc) =	sbr.rel @p1 .LBB2_2-.Ltmp0, $4  }
0x44: {  	s29 =	sadd.s32 $0x2800, s29;
	[sflag:s23] =	ssyncadd.s32 $0xFFFFD800  }
0x45: {  	[spmem:s2] =	stream.indirect.scatter.add.f32 [tilespmem:s22], [sflag:$0x3], $0x80, s29, s19, $0xb8;
	[tilespmem:$0x1F000] =	vst v63  }
0x46: {  	_ =	swait.ge [sflag:s14], $0x2800  }
0x47: {  	[sflag:s14] =	ssyncset.done $0x0  }
0x48: {  	[sflag:s14] =	ssyncadd.s32 $0xFFFFD800  }
0x49: {  	_ =	swait.ge [sflag:s21], $0x2800  }
0x4a: {  	[sflag:s21] =	ssyncset.done $0x0  }
0x4b: {  	[sflag:s21] =	ssyncadd.s32 $0xFFFFD800  }
0x4c: {  	[spmem:s2] =	stream.indirect.scatter.add.f32 [tilespmem:s20], [sflag:$0x3], $0x80, s24, s19, $0xb8;
	[tilespmem:$0x1F000] =	vst v63  }
0x4d: {  	_ =	swait.ge [sflag:s14], $0x2800  }
0x4e: {  	[sflag:s14] =	ssyncset.done $0x0  }
0x4f: {  	[sflag:s14] =	ssyncadd.s32 $0xFFFFD800  }
0x50: {  	[bflag:$0x0] =	sbarrier.arrive $0xFFFF  }
0x51: {  	[hbm:s9], [sflag:s16] =	dma.local [spmem:s17], $0x2700  }
0x52: {  	s25 =	sadd.s32 $0x1, s25;
	_ =	swait.ge [sflag:s14], $0x2700  }
0x53: {  	p1 =	sne.s32 s25, s11;
	[sflag:s14] =	ssyncset.done $0x0  }
.Ltmp1:
0x54: {  	s26 =	simm.s32 @!p0 $0x3;
	[sflag:s14] =	ssyncadd.s32 $0xFFFFD900;
	(pc) =	sbr.rel @p1 .LBB2_1-.Ltmp1, $4  }
0x55: {  	[hbm:s10], [sflag:s16] =	dma.local @!p0 [spmem:s18], $0x100  }
0x56: {  	_ =	swait.ge @!p0 [sflag:s26], $0x100  }
0x57: {  	[sflag:s26] =	ssyncset.done @!p0 $0x0  }
0x58: {  	[sflag:s26] =	ssyncadd.s32 @!p0 $0xFFFFFF00  }
0x59: {  	_ =	sfence.sel $0x180000  }
0x5a: {  	[bflag:$0x0] =	sbarrier.arrive $0xFFFF  }
0x5b: {  	p0 =	sne.s32 s0, $0x0;
	_ =	strace $0x9000004D  }
0x5c: {  	s0 =	sadd.s32 @!p0 $0x100000, s1;
	[bflag:$0x2] =	sbarrier.arrive $0xFFFF  }
0x5d: {  	[sflag:s0] =	ssyncadd.tile.s32 @!p0 $0x1;
	_ =	shalt  }
.Lfunc_end2:
_tile_overlayer_lowered:
.L_overlay_start_2:
0x5e: {  	(tag) =	ssettag $0x2  }
0x5f: {  	s0 =	rddreg [dreg:$0x0];
	s2 =	stileid.u32  }
0x60: {  	s1 =	rddreg [dreg:$0x1];
	p0 =	sne.s32 s2, $0x0  }
0x61: {  	s3 =	rddreg [dreg:$0x2];
	[bflag:$0x3] =	sbarrier.arrive $0xFFFF;
	s2 =	simm.s32 @!p0 $0x1C03  }
0x62: {  	[timem:s3], [sflag:s2] =	dma.local @!p0 [hbm:s0], s1  }
0x63: {  	s0 =	simm.s32 @!p0 $0x3  }
0x64: {  	_ =	swait.ge @!p0 [sflag:s0], s1  }
0x65: {  	s1 =	ssub.s32 @!p0 $0x0, s1;
	[sflag:s0] =	ssyncset.done @!p0 $0x0  }
0x66: {  	[sflag:s0] =	ssyncadd.s32 @!p0 s1  }
0x67: {  	[bflag:$0x3] =	sbarrier.arrive $0xFFFF  }
0x68: {  	_ =	shalt  }

// kernel: kernel.9.cloned.1.call-start
scs
__scs_entry_jumppad:
0x0: {  	(pc) =	sbr.rel $0x88, $3  }
0x1: {  	(tag) =	ssettag $0x0;
	lr =	simm.s32 $0x1  }
0x2: {  	[smem:$0x3F8B] =	sst lr;
	_ =	strace $0xD0000000  }
0x3: {  	_ = 	snop  }
0x4: {  	_ = 	snop  }
0x5: {  	_ = 	snop  }
0x6: {  	_ = 	snop  }
0x7: {  	_ = 	snop  }
__scs_overlays_trampoline_lowered:
0x8: {  	[smem:$0x3F9A] =	sst s0  }
0x9: {  	[smem:$0x3F9B] =	sst s1  }
0xa: {  	[smem:$0x3F9C] =	sst s2  }
0xb: {  	[smem:$0x3F9D] =	sst s3  }
0xc: {  	[smem:$0x3F9E] =	sst s4  }
0xd: {  	[smem:$0x3F9F] =	sst s5  }
0xe: {  	[smem:$0x3FA0] =	sst s6  }
0xf: {  	[smem:$0x3FA1] =	sst s7  }
0x10: {  	[smem:$0x3FA2] =	sst s8  }
0x11: {  	[smem:$0x3FA3] =	sst s9;
	s0 =	simm.s32 @!p0 $0x0  }
0x12: {  	s1 =	sld [smem:$0x3F89];
	s0 =	simm.s32 @p0 $0x1  }
0x13: {  	[smem:$0x3FA4] =	sst s0;
	s0 =	simm.s32 @!p1 $0x0  }
0x14: {  	s2 =	sld [smem:$0x3F88];
	s0 =	simm.s32 @p1 $0x1  }
0x15: {  	[smem:$0x3FA5] =	sst s0;
	s0 =	simm.s32 @!p2 $0x0  }
0x16: {  	s3 =	sld [smem:$0x3FDB];
	s0 =	simm.s32 @p2 $0x1  }
0x17: {  	s4 =	simm.s32 $0x1BF5;
	[smem:$0x3FA7] =	sst s0  }
0x18: {  	s0 =	sld [smem:$0x3F8A];
	_ =	swait.ge [sflag:s4], $0x0  }
0x19: {  	s7 =	sld [smem:$0x3F8B]  }
0x1a: {  	s8 =	sadd.s32 $0xFFFFE003, lr  }
0x1b: {  	s9 =	sadd.s32 $0xFFFFFEF7, lr;
	s5 =	simm.s32 $0xFFFFFFFF;
	p2 =	slt.u32 s8, $0xFFFFF086  }
0x1c: {  	p1 =	slt.u32 s9, $0xF7A;
	s5 =	simm.s32 @!p2 $0x0  }
0x1d: {  	s5 =	simm.s32 @p1 $0x1;
	p0 =	seq.s32 s7, s2  }
0x1e: {  	s7 =	smul.u32 @!p0 $0xF7A, s2;
	p2 =	seq.s32 @!p0 s5, $0x0  }
0x1f: {  	s9 =	smul.u32 $0xF7A, s1;
	s8 =	simm.s32 @!p0 $0x1BF5;
	p2 =	por !p2, p0  }
0x20: {  	[sflag:s8] =	ssyncset.s32 @!p0 $0xFFFFF086;
	s6 =	sadd.s32 @!p0 s3, s7;
	s7 =	simm.s32 @!p0 $0x108  }
0x21: {  	s3 =	sadd.s32 s3, s9;
	s6 =	sadd.s32 @!p0 $0x88, s6;
	s7 =	simm.s32 @p2 $0x1082  }
0x22: {  	[simem:s7], [sflag:s8] =	dma.local @!p0 [hbm:s6], $0xF7A  }
0x23: {  	s9 =	sor.u32 $0xD0000000, s2;
	s6 =	simm.s32 $0x108;
	_ =	swait.ge @!p0 [sflag:s8], $0x0  }
0x24: {  	s3 =	sadd.s32 $0x88, s3;
	s6 =	simm.s32 @!p1 $0x1082;
	[sflag:s4] =	ssyncset.s32 $0xFFFFF086  }
0x25: {  	[simem:s6], [sflag:s4] =	dma.local [hbm:s3], $0xF7A  }
0x26: {  	[smem:$0x3F8B] =	sst s1;
	(tag) =	ssettag s2;
	_ =	strace s9  }
0x27: {  	s1 =	sld [smem:$0x3F9B]  }
0x28: {  	s2 =	sld [smem:$0x3F9C]  }
0x29: {  	s4 =	sld [smem:$0x3F9E]  }
0x2a: {  	p0 =	seq.s32 s5, $0x0;
	s5 =	sld [smem:$0x3F9F]  }
0x2b: {  	s6 =	sld [smem:$0x3FA0]  }
0x2c: {  	s7 =	sld [smem:$0x3FA1]  }
0x2d: {  	s3 =	simm.s32 $0x108;
	s8 =	sld [smem:$0x3FA2]  }
0x2e: {  	s3 =	simm.s32 @!p0 $0x1082;
	s9 =	sld [smem:$0x3FA3]  }
0x2f: {  	lr =	sadd.s32 s0, s3;
	s0 =	sld [smem:$0x3F9A]  }
0x30: {  	s3 =	sld [smem:$0x3F9D]  }
0x31: {  	[smem:$0x3FA6] =	sst s10  }
0x32: {  	s10 =	sld [smem:$0x3FA4];
	_ =	sdelay $0x3  }
0x33: {  	p0 =	seq.s32 s10, $0x1;
	s10 =	sld [smem:$0x3FA6];
	_ =	sdelay $0x3  }
0x34: {  	[smem:$0x3FA6] =	sst s10  }
0x35: {  	s10 =	sld [smem:$0x3FA5];
	_ =	sdelay $0x3  }
0x36: {  	p1 =	seq.s32 s10, $0x1;
	s10 =	sld [smem:$0x3FA6];
	_ =	sdelay $0x3  }
0x37: {  	[smem:$0x3FA6] =	sst s10  }
0x38: {  	s10 =	sld [smem:$0x3FA7]  }
0x39: {  	_ = 	snop;
	(pc) =	sbr.ind lr, $3  }
0x3a: {  	_ = 	snop  }
0x3b: {  	_ = 	snop  }
0x3c: {  	p2 =	seq.s32 s10, $0x1;
	s10 =	sld [smem:$0x3FA6]  }
0x3d: {  	_ =	shalt  }
0x3e: {  	_ =	shalt  }
0x3f: {  	_ =	shalt  }
0x40: {  	_ =	shalt  }
0x41: {  	_ =	shalt  }
0x42: {  	_ =	shalt  }
0x43: {  	_ =	shalt  }
0x44: {  	_ =	shalt  }
0x45: {  	_ =	shalt  }
0x46: {  	_ =	shalt  }
0x47: {  	_ =	shalt  }
0x48: {  	_ =	shalt  }
0x49: {  	_ =	shalt  }
0x4a: {  	_ =	shalt  }
0x4b: {  	_ =	shalt  }
0x4c: {  	_ =	shalt  }
0x4d: {  	_ =	shalt  }
0x4e: {  	_ =	shalt  }
0x4f: {  	_ =	shalt  }
0x50: {  	_ =	shalt  }
0x51: {  	_ =	shalt  }
0x52: {  	_ =	shalt  }
0x53: {  	_ =	shalt  }
0x54: {  	_ =	shalt  }
0x55: {  	_ =	shalt  }
0x56: {  	_ =	shalt  }
0x57: {  	_ =	shalt  }
0x58: {  	_ =	shalt  }
0x59: {  	_ =	shalt  }
0x5a: {  	_ =	shalt  }
0x5b: {  	_ =	shalt  }
0x5c: {  	_ =	shalt  }
0x5d: {  	_ =	shalt  }
0x5e: {  	_ =	shalt  }
0x5f: {  	_ =	shalt  }
0x60: {  	_ =	shalt  }
0x61: {  	_ =	shalt  }
0x62: {  	_ =	shalt  }
0x63: {  	_ =	shalt  }
0x64: {  	_ =	shalt  }
0x65: {  	_ =	shalt  }
0x66: {  	_ =	shalt  }
0x67: {  	_ =	shalt  }
0x68: {  	_ =	shalt  }
0x69: {  	_ =	shalt  }
0x6a: {  	_ =	shalt  }
0x6b: {  	_ =	shalt  }
0x6c: {  	_ =	shalt  }
0x6d: {  	_ =	shalt  }
0x6e: {  	_ =	shalt  }
0x6f: {  	_ =	shalt  }
0x70: {  	_ =	shalt  }
0x71: {  	_ =	shalt  }
0x72: {  	_ =	shalt  }
0x73: {  	_ =	shalt  }
0x74: {  	_ =	shalt  }
0x75: {  	_ =	shalt  }
0x76: {  	_ =	shalt  }
0x77: {  	_ =	shalt  }
0x78: {  	_ =	shalt  }
0x79: {  	_ =	shalt  }
0x7a: {  	_ =	shalt  }
0x7b: {  	_ =	shalt  }
0x7c: {  	_ =	shalt  }
0x7d: {  	_ =	shalt  }
0x7e: {  	_ =	shalt  }
0x7f: {  	_ =	shalt  }
0x80: {  	_ =	shalt  }
0x81: {  	_ =	shalt  }
0x82: {  	_ =	shalt  }
0x83: {  	_ =	shalt  }
0x84: {  	_ =	shalt  }
0x85: {  	_ =	shalt  }
0x86: {  	_ =	shalt  }
0x87: {  	_ =	shalt  }
.Lfunc_end0:
.L_simem_size_0:
called_computation_lowered:
.L_overlay_start_0:
0x88: {  	s2 =	sld [smem:$0x3FD9]  }
0x89: {  	s3 =	sld [smem:$0x3FFE];
	_ =	sdelay $0x1  }
0x8a: {  	s1 =	srdreg.scid  }
0x8b: {  	s0 =	sand.u32 $0x1, s1  }
0x8c: {  	s14 =	sshll.u32 s0, $0xA;
	s2 =	sadd.s32 s3, s2  }
0x8d: {  	s2 =	sadd.s32 s2, s14  }
0x8e: {  	[smem:$0x3FB2] =	sst s2  }
0x8f: {  	_ = 	snop  }
0x90: {  	s2 =	sld [smem:$0x3FD0];
	_ =	sdelay $0x2  }
0x91: {  	s15 =	simm.s32 $0xA;
	s4 =	simm.s32 $0x10  }
0x92: {  	[smem:s4], [sflag:s15] =	dma.local [hbm:s2], $0x1  }
0x93: {  	_ =	swait.eq [sflag:s15], $0x1  }
0x94: {  	[sflag:s15] =	ssyncset.done $0x0  }
0x95: {  	[sflag:s15] =	ssyncadd.s32 $0xFFFFFFFF  }
0x96: {  	s16 =	sld [smem:$0x10];
	(tm) =	ssettm $0x1  }
0x97: {  	s17 =	sld [smem:$0x3FFB];
	_ =	sdelay $0x3  }
0x98: {  	_ =	strace s17  }
0x99: {  	s3 =	sld [smem:$0x3FFC];
	_ =	sdelay $0x3  }
0x9a: {  	_ =	strace s3  }
0x9b: {  	s3 =	sld [smem:$0x3FFD];
	_ =	sdelay $0x3  }
0x9c: {  	_ =	strace s3  }
0x9d: {  	_ =	strace $0x8FFFFFFF  }
0x9e: {  	s18 =	sld [smem:$0x3FDB];
	_ =	sdelay $0x1  }
0x9f: {  	s19 =	simm.s32 $_scs_section_size  }
0xa0: {  	s5 =	simm.s32 $_size__tile_overlayer_lowered;
	s6 =	simm.s32 $_tile_overlayer_lowered  }
0xa1: {  	s22 =	simm.s32 $0x1BFF;
	s21 =	sshll.u32 s6, $0x1;
	s3 =	sadd.s32 s19, s18  }
0xa2: {  	s7 =	simm.s32 $0x0;
	s20 =	sshll.u32 s5, $0x1;
	s5 =	sadd.s32 s21, s3  }
0xa3: {  	[timem:s7], [sflag:s22] =	dma.local [hbm:s5], s20  }
0xa4: {  	_ =	swait.ge [sflag:s22], s20  }
0xa5: {  	s4 =	ssub.s32 $0x0, s20;
	[sflag:s22] =	ssyncset.done $0x0  }
0xa6: {  	[sflag:s22] =	ssyncadd.s32 s4;
	_ =	sdelay $0x1  }
0xa7: {  	s23 =	simm.s32 $0x1B8B  }
0xa8: {  	_ =	swait.ge [sflag:s23], $0x1  }
0xa9: {  	[sflag:s23] =	ssyncset.done $0x0  }
0xaa: {  	s25 =	simm.s32 $0x1B8E;
	s24 =	sld [smem:$0x3FFE];
	[sflag:s23] =	ssyncadd.s32 $0xFFFFFFFF  }
0xab: {  	s26 =	simm.s32 $execute0_lowered;
	[smem:$0x3FD2] =	sst s25  }
0xac: {  	s5 =	sshll.u32 s26, $0x1;
	_ =	strace $0x80000046;
	[dreg:$0x1] =	wrdreg $0xFFFFFFFF  }
0xad: {  	s28 =	simm.s32 $_size_execute0_lowered;
	s3 =	sadd.s32 s3, s5;
	[dreg:$0x0] =	wrdreg $0x0  }
0xae: {  	s5 =	sshll.u32 s28, $0x1;
	[dreg:$0x2] =	wrdreg s3  }
0xaf: {  	[dreg:$0x3] =	wrdreg s5  }
0xb0: {  	[dreg:$0x4] =	wrdreg $0xC0  }
0xb1: {  	_ =	task [dreg:s7], $0x5FFFF  }
0xb2: {  	[dreg:$0x1] =	wrdreg $0xFFFFFFFF  }
0xb3: {  	[dreg:$0x0] =	wrdreg $0x60  }
0xb4: {  	[dreg:$0x2] =	wrdreg s24  }
0xb5: {  	[dreg:$0x3] =	wrdreg s16  }
0xb6: {  	[dreg:$0x4] =	wrdreg $0x9  }
0xb7: {  	_ =	task.clear_ibuf [dreg:s7], $0x5FFFF;
	_ =	strace $0x90000046  }
0xb8: {  	s29 =	simm.s32 $0x9;
	_ =	strace $0x80000048  }
0xb9: {  	_ =	swait.ge [sflag:s29], $0x1  }
0xba: {  	[sflag:s29] =	ssyncadd.s32 $0xFFFFFFFF  }
0xbb: {  	_ =	strace $0x90000048  }
0xbc: {  	_ =	sfence  }
0xbd: {  	s30 =	sld [smem:$0x0];
	_ =	sdelay $0x2  }
0xbe: {  	s31 =	sshll.u32 s1, $0xD;
	s1 =	sshrl.u32 s1, $0x2  }
0xbf: {  	s3 =	sand.u32 $0x4000, s31;
	s1 =	sadd.s32 s1, s30  }
0xc0: {  	s0 =	sor.u32 s3, s0;
	s1 =	sshll.u32 s1, $0x11  }
0xc1: {  	s0 =	sor.u32 s1, s0  }
0xc2: {  	s0 =	sadd.s32 $0x8F2B, s0  }
0xc3: {  	[sflag:s0] =	ssyncadd.remote.s32 $0x1  }
0xc4: {  	_ =	sfence.sel $0xFFFF  }
0xc5: {  	[dreg:$0x0] =	wrdreg $0xFFFFFFFF;
	(pc) =	sbr.abs _section_cstart, $3  }
0xc6: {  	[dreg:$0x1] =	wrdreg $0xFFFFFFFF  }
0xc7: {  	_ =	task.clear_ibuf [dreg:s7], $0x2FFFF;
	_ =	strace $0x9FFFFFFF  }
0xc8: {  	(tm) =	ssettm $0x7FFFFFFF  }
0xc9: {  	_ =	shalt  }
tec
execute0_lowered:
.L_overlay_start_1:
0x0: {  	(tag) =	ssettag $0x1  }
0x1: {  	s4 =	rddreg [dreg:$0x0];
	s1 =	srdreg.scid  }
0x2: {  	s0 =	stileid.u32;
	s2 =	rddreg [dreg:$0x1]  }
0x3: {  	s9 =	simm.s32 $0x80;
	s10 =	simm.s32 $0x400;
	s11 =	simm.s32 $0x0  }
0x4: {  	s5 =	sand.u32 $0x1, s1;
	s3 =	sshll.u32 s0, $0x1;
	s1 =	rddreg [dreg:$0x2]  }
0x5: {  	s7 =	sshrl.u32 s0, $0x2;
	s6 =	sor.u32 s5, s3;
	s3 =	simm.s32 $0x0  }
0x6: {  	s7 =	smul.u32 $0x13C00, s7;
	s5 =	ssub.s32 $0x2, s5;
	s8 =	sshll.u32 s6, $0x7  }
0x7: {  	[smem:$0x7FF] =	sst s3;
	s6 =	sshll.u32 s6, $0xB;
	s8 =	sand.u32 $0x380, s8  }
0x8: {  	s30 =	sshrl.u32 s5, $0x1;
	_ =	strace $0x80000047;
	s7 =	sor.u32 s7, s8  }
0x9: {  	s6 =	sadd.s32 s6, s4;
	s31 =	ssub.s32 s5, s30;
	s7 =	sshrl.u32 s7, $0x3  }
0xa: {  	s8 =	simm.s32 $0x4000;
	s7 =	sadd.s32 s7, s4;
	s4 =	sadd.s32 $0x4200, s6  }
0xb: {  	v0 =	vimm.f32 $1.000000000e+00;
	s6 =	smax.u32 s31, $0x1;
	s5 =	sadd.s32 $0x14200, s7;
	s7 =	simm.s32 $0x1  }
.LBB2_1:
0xc: {  	[tilespmem:s3], [sflag:$0x1] =	stream.linear.gather [hbm4b:s4+s3], $0x3E80, $0x38;
	[tilespmem:$0x6780] =	vst v63  }
0xd: {  	_ =	swait.ge [sflag:s7], $0x3E80  }
0xe: {  	[sflag:s7] =	ssyncset.done $0x0  }
0xf: {  	[sflag:s7] =	ssyncadd.s32 $0xFFFFC180  }
0x10: {  	[tilespmem:s8], [sflag:$0x1] =	stream.linear.gather [hbm4b:s2+s3], $0x2780, $0x38;
	[tilespmem:$0x6780] =	vst v63  }
0x11: {  	_ =	swait.ge [sflag:s7], $0x2780  }
0x12: {  	[sflag:s7] =	ssyncset.done $0x0  }
0x13: {  	s12 =	simm.s32 $0x0;
	[sflag:s7] =	ssyncadd.s32 $0xFFFFD880  }
.LBB2_2:
0x14: {  	s13 =	sshra.s32 s12, $0x2  }
0x15: {  	v1 =	vld [tilespmem:s13+$0x0];
	_ =	sdelay $0x7  }
0x16: {  	[tilespmem:v1+s8+$0x0] =	vst.idx.add.f32.msk $0xffff, v0  }
0x17: {  	v1 =	vld [tilespmem:s13+$0x10];
	_ =	sdelay $0x7  }
0x18: {  	[tilespmem:v1+s8+$0x0] =	vst.idx.add.f32.msk $0xffff, v0  }
0x19: {  	v1 =	vld [tilespmem:s13+$0x20];
	_ =	sdelay $0x7  }
0x1a: {  	[tilespmem:v1+s8+$0x0] =	vst.idx.add.f32.msk $0xffff, v0  }
0x1b: {  	v1 =	vld [tilespmem:s13+$0x30];
	_ =	sdelay $0x7  }
0x1c: {  	[tilespmem:v1+s8+$0x0] =	vst.idx.add.f32.msk $0xffff, v0  }
0x1d: {  	v1 =	vld [tilespmem:s13+$0x40];
	_ =	sdelay $0x2  }
0x1e: {  	p0 =	sne.s32 s12, $0xF800  }
.Ltmp0:
0x1f: {  	_ = 	snop;
	(pc) =	sbr.rel @p0 .LBB2_2-.Ltmp0, $2  }
0x20: {  	_ =	sdelay $0x2  }
0x21: {  	s12 =	sadd.s32 $0x200, s12;
	[tilespmem:v1+s8+$0x0] =	vst.idx.add.f32.msk $0xffff, v0  }
0x22: {  	s11 =	sadd.s32 $0x1, s11  }
0x23: {  	p0 =	sne.s32 s11, s6  }
.Ltmp1:
0x24: {  	_ = 	snop;
	(pc) =	sbr.rel @p0 .LBB2_1-.Ltmp1, $4  }
0x25: {  	[hbm4b:s5+s9] =	stream.strided.scatter [tilespmem:s8], [sflag:$0x1], $0x2780, s10, s9, $0x38;
	[tilespmem:$0x6780] =	vst v63  }
0x26: {  	_ =	swait.ge [sflag:s7], $0x2780  }
0x27: {  	[sflag:s7] =	ssyncset.done $0x0  }
0x28: {  	[sflag:s7] =	ssyncadd.s32 $0xFFFFD880  }
0x29: {  	_ =	sfence.sel $0x180000  }
0x2a: {  	[bflag:$0x0] =	sbarrier.arrive $0xFFFF  }
0x2b: {  	p0 =	sne.s32 s0, $0x0;
	_ =	strace $0x90000047  }
0x2c: {  	s0 =	sadd.s32 @!p0 $0x100000, s1;
	[bflag:$0x2] =	sbarrier.arrive $0xFFFF  }
0x2d: {  	[sflag:s0] =	ssyncadd.tile.s32 @!p0 $0x1;
	_ =	shalt  }
.Lfunc_end2:
_tile_overlayer_lowered:
.L_overlay_start_2:
0x2e: {  	(tag) =	ssettag $0x2  }
0x2f: {  	s0 =	rddreg [dreg:$0x0];
	s2 =	stileid.u32  }
0x30: {  	s1 =	rddreg [dreg:$0x1];
	p0 =	sne.s32 s2, $0x0  }
0x31: {  	s3 =	rddreg [dreg:$0x2];
	[bflag:$0x3] =	sbarrier.arrive $0xFFFF;
	s2 =	simm.s32 @!p0 $0x1C01  }
0x32: {  	[timem:s3], [sflag:s2] =	dma.local @!p0 [hbm:s0], s1  }
0x33: {  	s0 =	simm.s32 @!p0 $0x1  }
0x34: {  	_ =	swait.ge @!p0 [sflag:s0], s1  }
0x35: {  	s1 =	ssub.s32 @!p0 $0x0, s1;
	[sflag:s0] =	ssyncset.done @!p0 $0x0  }
0x36: {  	[sflag:s0] =	ssyncadd.s32 @!p0 s1  }
0x37: {  	[bflag:$0x3] =	sbarrier.arrive $0xFFFF  }
0x38: {  	_ =	shalt  }

</sc_bundles>
